<compile_context>
chip_gen: v7x
topology: tpu7x:2x2x1
jax: 0.10.2.dev20260603
libtpu: 0.0.44.dev20260713+nightly
codegen_flags: <defaults>
</compile_context>

<pallas_src>
import functools

import jax
import jax.numpy as jnp
from jax import lax
from jax.experimental import pallas as pl
from jax.experimental.pallas import tpu as pltpu
from jax.experimental.pallas import tpu_sc as plsc

B = 8
M = 131072
K = 1024
G = 3
HW = 128
STRIDE = M + 8

NC, NS = 2, 16
NW = NC * NS
B_PER_CORE = B // NC
TPB = NS // B_PER_CORE
KPT = K // TPB
NKC = KPT // 128
NCHUNK = G * KPT // 128

_MESH = plsc.VectorSubcoreMesh(
    core_axis_name="c", subcore_axis_name="s", num_cores=NC, num_subcores=NS
)

_SC_SCRATCH = [
    pltpu.VMEM((KPT,), jnp.int32),
    pltpu.VMEM((NKC, 128), jnp.int32),
    pltpu.VMEM((NKC, 128), jnp.int32),
    pltpu.VMEM((NCHUNK, 128), jnp.int32),
    pltpu.VMEM((NCHUNK, 128), jnp.int32),
    pltpu.VMEM((NCHUNK, 128), jnp.int32),
    pltpu.VMEM((NCHUNK, 128), jnp.int32),
    pltpu.VMEM((NCHUNK, 128), jnp.int32),
    pltpu.VMEM((NCHUNK, 128), jnp.float32),
    pltpu.VMEM((16,), jnp.float32),
    pltpu.VMEM_SHARED((B_PER_CORE * STRIDE,), jnp.int32),
    pltpu.SemaphoreType.DMA,
    pltpu.SemaphoreType.DMA,
]


def _sc_body(tmap_hbm, rcrep_hbm, src_hbm, pred_hbm, out_hbm,
             src_v, bidx, rcv, tval, pbuf, ebuf, wbuf, xibuf, xv,
             accv, mark_sp, sem_a, sem_b):
    c = lax.axis_index("c")
    s = lax.axis_index("s")
    bc = s // TPB
    b = c * B_PER_CORE + bc
    tb = s % TPB
    wid = c * NS + s

    with jax.named_scope("p0_src"):
        pltpu.sync_copy(src_hbm.at[pl.ds(b * K + tb * KPT, KPT)], src_v)

    iot = lax.broadcasted_iota(jnp.int32, (16,), 0)

    rbase = wid * K
    with jax.named_scope("p1a_bidx"):
        def _f1(i, _):
            kv = src_v[pl.ds(i * 16, 16)]
            bidx[i >> 3, pl.ds((i & 7) * 16, 16)] = ((kv * 10923) >> 16) + rbase
            return 0
        lax.fori_loop(0, 16, _f1, 0)

    with jax.named_scope("p1_rc"):
        rc_d = [pltpu.async_copy(rcrep_hbm.at[bidx.at[q]], rcv.at[q], sem_a)
                for q in range(NKC)]
        for d in rc_d:
            d.wait()

    with jax.named_scope("p2_tmap"):
        tm_d = [
            pltpu.async_copy(
                tmap_hbm.at[pl.ds(((j >> 1) * B + b) * (HW * HW), HW * HW)]
                .at[rcv.at[j & 1]],
                tval.at[j], sem_a)
            for j in range(NCHUNK)
        ]
        for d in tm_d:
            d.wait()

    ebase = (b * TPB + tb) * (G * KPT)
    with jax.named_scope("p3_mark"):
        def _f3(i, _):
            j = i >> 3
            sl = pl.ds((i & 7) * 16, 16)
            t = tval[j, sl]
            valid = t >= 0
            pbuf[j, sl] = jnp.where(valid, t, M) + bc * STRIDE
            ebuf[j, sl] = ebase + i * 16 + iot
            xibuf[j, sl] = jnp.where(valid, t, 0) + b * M
            return 0
        lax.fori_loop(0, 48, _f3, 0)

    with jax.named_scope("p4_scatter"):
        sc_d = [pltpu.async_copy(ebuf.at[j], mark_sp.at[pbuf.at[j]], sem_a)
                for j in range(NCHUNK)]
        xg_d = [pltpu.async_copy(pred_hbm.at[xibuf.at[j]], xv.at[j], sem_b)
                for j in range(NCHUNK)]
        for d in sc_d:
            d.wait()
    with jax.named_scope("p4b_barrier"):
        plsc.subcore_barrier()

    with jax.named_scope("p5_wback"):
        wg_d = [pltpu.async_copy(mark_sp.at[pbuf.at[j]], wbuf.at[j], sem_a)
                for j in range(NCHUNK)]
        for d in wg_d:
            d.wait()
        for d in xg_d:
            d.wait()

    with jax.named_scope("p6_acc"):
        def _f4(i, a):
            j = i >> 3
            sl = pl.ds((i & 7) * 16, 16)
            keep = (wbuf[j, sl] == ebuf[j, sl]) & (tval[j, sl] >= 0)
            return a + jnp.where(keep, xv[j, sl], 0.0)
        accv[...] = lax.fori_loop(0, 48, _f4, jnp.zeros((16,), jnp.float32))
    with jax.named_scope("p7_out"):
        pltpu.sync_copy(accv, out_hbm.at[wid])


_sc_sparse = functools.partial(
    pl.kernel,
    out_type=jax.ShapeDtypeStruct((NW, 16), jnp.float32),
    mesh=_MESH,
    scratch_types=_SC_SCRATCH,
)(_sc_body)


_DN = 4
_DBLK = M // _DN


def _dense_body(x_ref, o_ref):
    x = x_ref[...]
    blk = jnp.sum(jnp.maximum(x, 0.0) + jnp.log1p(jnp.exp(-jnp.abs(x))))
    i = pl.program_id(0)

    @pl.when(i == 0)
    def _():
        o_ref[0, 0] = 0.0

    o_ref[0, 0] += blk


_dense = pl.pallas_call(
    _dense_body,
    grid=(_DN,),
    in_specs=[pl.BlockSpec((B, _DBLK), lambda i: (0, i))],
    out_shape=jax.ShapeDtypeStruct((1, 1), jnp.float32),
    out_specs=pl.BlockSpec(memory_space=pltpu.SMEM),
)


def _combine_body(d_ref, p_ref, o_ref):
    o_ref[0, 0] = (d_ref[0, 0] - jnp.sum(p_ref[...])) * (1.0 / (B * M))


_combine = pl.pallas_call(
    _combine_body,
    in_specs=[pl.BlockSpec(memory_space=pltpu.SMEM), pl.BlockSpec()],
    out_shape=jax.ShapeDtypeStruct((1, 1), jnp.float32),
    out_specs=pl.BlockSpec(memory_space=pltpu.SMEM),
)


def kernel(pred_scores, box_id_to_token_id, token_id_maps, src_idx):
    n_box = box_id_to_token_id.shape[0]
    rc = box_id_to_token_id[:, 0] * HW + box_id_to_token_id[:, 1]
    rc = jnp.concatenate([rc, jnp.zeros((K - n_box,), jnp.int32)])
    rc_rep = jnp.tile(rc, NW)
    partials = _sc_sparse(
        token_id_maps.reshape(-1),
        rc_rep,
        src_idx.reshape(-1),
        pred_scores.reshape(-1),
    )
    dense = _dense(pred_scores)
    return _combine(dense, partials)[0, 0]

# --- scband reference (transcript-rebuilt; emitter-appended) ---
"""Pipeline reference for scband-token-score-loss-66331474920209 (READ-ONLY COPY).

The authoritative reference and input builder live on the scoring server;
editing this copy changes nothing except your own understanding.
"""

import jax, jax.numpy as jnp
import numpy as np

NUM_ANCHOR = 6


def _bce_with_logits_mean(x, z):
    # numerically stable binary_cross_entropy_with_logits, reduction='mean'
    return jnp.mean(jnp.maximum(x, 0.0) - x * z + jnp.log1p(jnp.exp(-jnp.abs(x))))


def setup_inputs(seed: int = 0) -> dict:
    key = jax.random.key(seed)
    k1, k2, k3, k4 = jax.random.split(key, 4)
    B, M = 8, 131072
    H = W = 128
    G = 3
    N_BOX = 1000
    K = 1024
    pred_scores = jax.random.normal(k1, (B, M), dtype=jnp.float32)
    # box_id_to_token_id: per GT box, (row, col) into the token-id maps
    box_id_to_token_id = jax.random.randint(k2, (N_BOX, 2), 0, H, dtype=jnp.int32)
    # token_id_map_per_granularity flattened to [G, B, H, W]; -1 = invalid slot
    token_id_maps = jax.random.randint(k3, (G, B, H, W), -1, M, dtype=jnp.int32)
    # matched_indexes src_idx per batch element (tgt_idx is unused by the loss)
    src_idx = jax.random.randint(k4, (B, K), 0, N_BOX * NUM_ANCHOR, dtype=jnp.int32)
    return {
        "pred_scores": pred_scores,
        "box_id_to_token_id": box_id_to_token_id,
        "token_id_maps": token_id_maps,
        "src_idx": src_idx,
    }


def reference(pred_scores, box_id_to_token_id, token_id_maps, src_idx):
    B, M = pred_scores.shape
    G = token_id_maps.shape[0]
    # repeat_interleave over anchors
    box_rep = jnp.repeat(box_id_to_token_id, NUM_ANCHOR, axis=0)  # [N_BOX*A, 2]
    loss = jnp.asarray(0.0, dtype=jnp.float32)
    for b in range(B):
        scores = pred_scores[b]
        token_ids = box_rep[src_idx[b]]  # gather -> [K, 2]
        # use M+1 length buffer so -1 (invalid) entries scatter into a dummy slot
        tgt_scores = jnp.zeros((M + 1,), dtype=scores.dtype)
        for g in range(G):
            tmap = token_id_maps[g, b]
            tgt_token_ids = tmap[token_ids[:, 0], token_ids[:, 1]]  # gather [K]
            tgt_token_ids = jnp.where(tgt_token_ids == -1, M, tgt_token_ids)
            tgt_scores = tgt_scores.at[tgt_token_ids].set(1.0)  # scatter-overwrite
        tgt_scores = tgt_scores[:M]
        loss = loss + _bce_with_logits_mean(scores, tgt_scores)
    loss = loss / B
    return loss

if __name__ == "__main__":
    import jax
    _d = setup_inputs()
    print(jax.jit(kernel)(*tuple(_d.values())))

</pallas_src>

<mosaic_0001>
#map = affine_map<(d0, d1) -> (0)>
#map1 = affine_map<(d0, d1) -> (0, 0)>
module attributes {stable_mosaic.version = 14 : i64} {
  func.func @_sc_body(%arg0: i32, %arg1: i32, %arg2: memref<393216xi32, #tpu.memory_space<hbm>>, %arg3: memref<32768xi32, #tpu.memory_space<hbm>>, %arg4: memref<8192xi32, #tpu.memory_space<hbm>>, %arg5: memref<1048576xf32, #tpu.memory_space<hbm>>, %arg6: memref<32x16xf32, #tpu.memory_space<hbm>>, %arg7: memref<256xi32, #tpu.memory_space<vmem>>, %arg8: memref<2x128xi32, #tpu.memory_space<vmem>>, %arg9: memref<2x128xi32, #tpu.memory_space<vmem>>, %arg10: memref<6x128xi32, #tpu.memory_space<vmem>>, %arg11: memref<6x128xi32, #tpu.memory_space<vmem>>, %arg12: memref<6x128xi32, #tpu.memory_space<vmem>>, %arg13: memref<6x128xi32, #tpu.memory_space<vmem>>, %arg14: memref<6x128xi32, #tpu.memory_space<vmem>>, %arg15: memref<6x128xf32, #tpu.memory_space<vmem>>, %arg16: memref<16xf32, #tpu.memory_space<vmem>>, %arg17: memref<524320xi32, #tpu.memory_space<vmem_shared>>, %arg18: memref<!tpu.dma_semaphore, #tpu.memory_space<semaphore_mem>>, %arg19: memref<!tpu.dma_semaphore, #tpu.memory_space<semaphore_mem>>) attributes {dimension_semantics = [#tpu.dimension_semantics<core_parallel>, #tpu.dimension_semantics<subcore_parallel>], iteration_bounds = array<i64: 2, 16>, scalar_prefetch = 0 : i64, scratch_operands = 13 : i64, tpu.core_type = #tpu.core_type<sc_vector_subcore>, window_params = [{transform_indices = #map}, {transform_indices = #map}, {transform_indices = #map}, {transform_indices = #map}, {transform_indices = #map1}]} {
    %jit3A = arith.constant 4 : i32
    %div3A = arith.divsi %arg1, %jit3A : i32
    %sign3A = arith.constant 0 : i32
    %sign3A_0 = arith.cmpi sgt, %arg1, %sign3A : i32
    %sign3A_1 = arith.extui %sign3A_0 : i1 to i32
    %sign3A_2 = arith.constant 0 : i32
    %sign3A_3 = arith.cmpi slt, %arg1, %sign3A_2 : i32
    %sign3A_4 = arith.extui %sign3A_3 : i1 to i32
    %sign3A_5 = arith.subi %sign3A_1, %sign3A_4 : i32
    %sign3A_6 = arith.constant 0 : i32
    %sign3A_7 = arith.cmpi sgt, %jit3A, %sign3A_6 : i32
    %sign3A_8 = arith.extui %sign3A_7 : i1 to i32
    %sign3A_9 = arith.constant 0 : i32
    %sign3A_10 = arith.cmpi slt, %jit3A, %sign3A_9 : i32
    %sign3A_11 = arith.extui %sign3A_10 : i1 to i32
    %sign3A_12 = arith.subi %sign3A_8, %sign3A_11 : i32
    %ne3A = arith.cmpi ne, %sign3A_5, %sign3A_12 : i32
    %rem3A = arith.remsi %arg1, %jit3A : i32
    %ne3A_13 = arith.constant 0 : i32
    %ne3A_14 = arith.cmpi ne, %rem3A, %ne3A_13 : i32
    %and3A = arith.andi %ne3A, %ne3A_14 : i1
    %sub3A = arith.constant 1 : i32
    %sub3A_15 = arith.subi %div3A, %sub3A : i32
    %select_n3A = arith.select %and3A, %sub3A_15, %div3A : i32
    %mul3A = arith.constant 4 : i32
    %mul3A_16 = arith.muli %arg0, %mul3A : i32
    %add3A = arith.addi %mul3A_16, %select_n3A : i32
    %jit3A_17 = arith.constant 4 : i32
    %eq3A = arith.constant 0 : i32
    %eq3A_18 = arith.cmpi eq, %jit3A_17, %eq3A : i32
    %jit3A_19 = arith.constant 1 : i32
    %select_n3A_20 = arith.select %eq3A_18, %jit3A_19, %jit3A_17 : i32
    %rem3A_21 = arith.remsi %arg1, %select_n3A_20 : i32
    %ne3A_22 = arith.constant 0 : i32
    %ne3A_23 = arith.cmpi ne, %rem3A_21, %ne3A_22 : i32
    %lt3A = arith.constant 0 : i32
    %lt3A_24 = arith.cmpi slt, %rem3A_21, %lt3A : i32
    %lt3A_25 = arith.constant 0 : i32
    %lt3A_26 = arith.cmpi slt, %select_n3A_20, %lt3A_25 : i32
    %ne3A_27 = arith.xori %lt3A_24, %lt3A_26 : i1
    %and3A_28 = arith.andi %ne3A_27, %ne3A_23 : i1
    %add3A_29 = arith.addi %rem3A_21, %select_n3A_20 : i32
    %select_n3A_30 = arith.select %and3A_28, %add3A_29, %rem3A_21 : i32
    %mul3A_31 = arith.constant 16 : i32
    %mul3A_32 = arith.muli %arg0, %mul3A_31 : i32
    %add3A_33 = arith.addi %mul3A_32, %arg1 : i32
    "tpu.trace_start"() <{level = 10 : i32, message = "p0_src"}> : () -> ()
    %mul3A_34 = arith.constant 1024 : i32
    %mul3A_35 = arith.muli %add3A, %mul3A_34 : i32
    %mul3A_36 = arith.constant 256 : i32
    %mul3A_37 = arith.muli %select_n3A_30, %mul3A_36 : i32
    %add3A_38 = arith.addi %mul3A_35, %mul3A_37 : i32
    "tpu.region"() ({
      %run_scoped3A = tpu.sem_alloc : memref<!tpu.dma_semaphore, #tpu.memory_space<semaphore_mem>>
      %dma_start3A_623 = tpu.memref_slice %arg4[%add3A_38] : memref<8192xi32, #tpu.memory_space<hbm>> -> memref<256xi32, #tpu.memory_space<hbm>>
      %dma_start3A_624 = tpu.memref_slice %arg4[%add3A_38] : memref<8192xi32, #tpu.memory_space<hbm>> -> memref<256xi32, #tpu.memory_space<hbm>>
      tpu.enqueue_dma source(%dma_start3A_624 : memref<256xi32, #tpu.memory_space<hbm>>) target(%arg7 : memref<256xi32, #tpu.memory_space<vmem>>) target_semaphore(%run_scoped3A : memref<!tpu.dma_semaphore, #tpu.memory_space<semaphore_mem>>)
      %dma_wait3A_625 = tpu.memref_slice %arg4[%add3A_38] : memref<8192xi32, #tpu.memory_space<hbm>> -> memref<256xi32, #tpu.memory_space<hbm>>
      %dma_wait3A_626 = tpu.memref_slice %arg4[%add3A_38] : memref<8192xi32, #tpu.memory_space<hbm>> -> memref<256xi32, #tpu.memory_space<hbm>>
      tpu.wait_dma2 semaphore(%run_scoped3A : memref<!tpu.dma_semaphore, #tpu.memory_space<semaphore_mem>>) src(%dma_wait3A_626 : memref<256xi32, #tpu.memory_space<hbm>>) dst(%arg7 : memref<256xi32, #tpu.memory_space<vmem>>)
      tpu.yield
    }) : () -> ()
    "tpu.trace_stop"() : () -> ()
    %iota3A = tpu.iota {dimensions = array<i32: 0>} : vector<16xi32>
    %mul3A_39 = arith.constant 1024 : i32
    %mul3A_40 = arith.muli %add3A_33, %mul3A_39 : i32
    "tpu.trace_start"() <{level = 10 : i32, message = "p1a_bidx"}> : () -> ()
    %scan3A = arith.constant 0 : i32
    %scan3A_41 = arith.constant 0 : i32
    %scan3A_42 = arith.constant 16 : i32
    %scan3A_43 = arith.addi %scan3A_41, %scan3A_42 : i32
    %scan3A_44 = arith.constant 1 : i32
    %scan3A_45 = scf.for %scan3A_623 = %scan3A_41 to %scan3A_43 step %scan3A_44 iter_args(%scan3A_624 = %scan3A) -> (i32)  : i32 {
      %mul3A_625 = arith.constant 16 : i32
      %mul3A_626 = arith.muli %scan3A_623, %mul3A_625 : i32
      %get3A = arith.index_cast %mul3A_626 : i32 to index
      %get3A_627 = tpu.vector_load %arg7[%get3A] {strides = array<i32>} : memref<256xi32, #tpu.memory_space<vmem>>, vector<16xi32>,
      %get3A_628 = vector.shape_cast %get3A_627 : vector<16xi32> to vector<16xi32>
      %mul3A_629 = arith.constant 10923 : i32
      %mul3A_630 = vector.broadcast %mul3A_629 : i32 to vector<16xi32>
      %mul3A_631 = arith.muli %get3A_628, %mul3A_630 : vector<16xi32>
      %shift_right_arithmetic3A = arith.constant 16 : i32
      %shift_right_arithmetic3A_632 = vector.broadcast %shift_right_arithmetic3A : i32 to vector<16xi32>
      %shift_right_arithmetic3A_633 = arith.shrsi %mul3A_631, %shift_right_arithmetic3A_632 : vector<16xi32>
      %add3A_634 = vector.broadcast %mul3A_40 : i32 to vector<16xi32>
      %add3A_635 = arith.addi %shift_right_arithmetic3A_633, %add3A_634 : vector<16xi32>
      %shift_right_arithmetic3A_636 = arith.constant 3 : i32
      %shift_right_arithmetic3A_637 = arith.shrsi %scan3A_623, %shift_right_arithmetic3A_636 : i32
      %and3A_638 = arith.constant 7 : i32
      %and3A_639 = arith.andi %scan3A_623, %and3A_638 : i32
      %mul3A_640 = arith.constant 16 : i32
      %mul3A_641 = arith.muli %and3A_639, %mul3A_640 : i32
      %swap3A_642 = arith.index_cast %shift_right_arithmetic3A_637 : i32 to index
      %swap3A_643 = arith.index_cast %mul3A_641 : i32 to index
      %swap3A_644 = tpu.vector_load %arg8[%swap3A_642, %swap3A_643] {strides = array<i32>} : memref<2x128xi32, #tpu.memory_space<vmem>>, vector<1x16xi32>,
      %swap3A_645 = vector.shape_cast %swap3A_644 : vector<1x16xi32> to vector<16xi32>
      %swap3A_646 = vector.shape_cast %add3A_635 : vector<16xi32> to vector<1x16xi32>
      tpu.vector_store %arg8[%swap3A_642, %swap3A_643], %swap3A_646 {strides = array<i32>} : memref<2x128xi32, #tpu.memory_space<vmem>>, vector<1x16xi32>,
      %scan3A_647 = arith.constant 0 : i32
      scf.yield %scan3A_647 : i32
    }
    %scan3A_46 = arith.constant 16 : i32
    %dma_start3A = arith.constant 0 : i32
    %dma_start3A_47 = arith.constant 0 : i32
    "tpu.trace_stop"() : () -> ()
    "tpu.trace_start"() <{level = 10 : i32, message = "p1_rc"}> : () -> ()
    %dma_start3A_48 = arith.constant 0 : i32
    %dma_start3A_49 = tpu.memref_slice %arg9[%dma_start3A_47, %dma_start3A_48] : memref<2x128xi32, #tpu.memory_space<vmem>> -> memref<1x128xi32, #tpu.memory_space<vmem>>
    %dma_start3A_50 = tpu.memref_squeeze %dma_start3A_49 : memref<1x128xi32, #tpu.memory_space<vmem>> -> memref<128xi32, #tpu.memory_space<vmem>>
    %dma_start3A_51 = arith.constant 0 : i32
    %dma_start3A_52 = tpu.memref_slice %arg8[%dma_start3A, %dma_start3A_51] : memref<2x128xi32, #tpu.memory_space<vmem>> -> memref<1x128xi32, #tpu.memory_space<vmem>>
    %dma_start3A_53 = tpu.memref_squeeze %dma_start3A_52 : memref<1x128xi32, #tpu.memory_space<vmem>> -> memref<128xi32, #tpu.memory_space<vmem>>
    %dma_start3A_54 = arith.constant 0 : i32
    %dma_start3A_55 = tpu.memref_slice %arg3[%dma_start3A_54] : memref<32768xi32, #tpu.memory_space<hbm>> -> memref<32768xi32, #tpu.memory_space<hbm>>
    tpu.enqueue_indirect_dma source(%dma_start3A_55 : memref<32768xi32, #tpu.memory_space<hbm>>) target(%dma_start3A_50 : memref<128xi32, #tpu.memory_space<vmem>>) offsets(%dma_start3A_53 : memref<128xi32, #tpu.memory_space<vmem>>) semaphore(%arg18 : memref<!tpu.dma_semaphore, #tpu.memory_space<semaphore_mem>>)
    %dma_start3A_56 = arith.constant 1 : i32
    %dma_start3A_57 = arith.constant 1 : i32
    %dma_start3A_58 = arith.constant 0 : i32
    %dma_start3A_59 = tpu.memref_slice %arg9[%dma_start3A_57, %dma_start3A_58] : memref<2x128xi32, #tpu.memory_space<vmem>> -> memref<1x128xi32, #tpu.memory_space<vmem>>
    %dma_start3A_60 = tpu.memref_squeeze %dma_start3A_59 : memref<1x128xi32, #tpu.memory_space<vmem>> -> memref<128xi32, #tpu.memory_space<vmem>>
    %dma_start3A_61 = arith.constant 0 : i32
    %dma_start3A_62 = tpu.memref_slice %arg8[%dma_start3A_56, %dma_start3A_61] : memref<2x128xi32, #tpu.memory_space<vmem>> -> memref<1x128xi32, #tpu.memory_space<vmem>>
    %dma_start3A_63 = tpu.memref_squeeze %dma_start3A_62 : memref<1x128xi32, #tpu.memory_space<vmem>> -> memref<128xi32, #tpu.memory_space<vmem>>
    %dma_start3A_64 = arith.constant 0 : i32
    %dma_start3A_65 = tpu.memref_slice %arg3[%dma_start3A_64] : memref<32768xi32, #tpu.memory_space<hbm>> -> memref<32768xi32, #tpu.memory_space<hbm>>
    tpu.enqueue_indirect_dma source(%dma_start3A_65 : memref<32768xi32, #tpu.memory_space<hbm>>) target(%dma_start3A_60 : memref<128xi32, #tpu.memory_space<vmem>>) offsets(%dma_start3A_63 : memref<128xi32, #tpu.memory_space<vmem>>) semaphore(%arg18 : memref<!tpu.dma_semaphore, #tpu.memory_space<semaphore_mem>>)
    %dma_wait3A = arith.constant 0 : i32
    %dma_wait3A_66 = arith.constant 0 : i32
    %dma_wait3A_67 = arith.constant 0 : i32
    %dma_wait3A_68 = tpu.memref_slice %arg9[%dma_wait3A_66, %dma_wait3A_67] : memref<2x128xi32, #tpu.memory_space<vmem>> -> memref<1x128xi32, #tpu.memory_space<vmem>>
    %dma_wait3A_69 = tpu.memref_squeeze %dma_wait3A_68 : memref<1x128xi32, #tpu.memory_space<vmem>> -> memref<128xi32, #tpu.memory_space<vmem>>
    %dma_wait3A_70 = arith.constant 0 : i32
    %dma_wait3A_71 = tpu.memref_slice %arg8[%dma_wait3A, %dma_wait3A_70] : memref<2x128xi32, #tpu.memory_space<vmem>> -> memref<1x128xi32, #tpu.memory_space<vmem>>
    %dma_wait3A_72 = tpu.memref_squeeze %dma_wait3A_71 : memref<1x128xi32, #tpu.memory_space<vmem>> -> memref<128xi32, #tpu.memory_space<vmem>>
    %dma_wait3A_73 = arith.constant 0 : i32
    %dma_wait3A_74 = tpu.memref_slice %arg3[%dma_wait3A_73] : memref<32768xi32, #tpu.memory_space<hbm>> -> memref<32768xi32, #tpu.memory_space<hbm>>
    tpu.wait_indirect_dma semaphore(%arg18 : memref<!tpu.dma_semaphore, #tpu.memory_space<semaphore_mem>>) src(%dma_wait3A_74 : memref<32768xi32, #tpu.memory_space<hbm>>) dst(%dma_wait3A_69 : memref<128xi32, #tpu.memory_space<vmem>>)
    %dma_wait3A_75 = arith.constant 1 : i32
    %dma_wait3A_76 = arith.constant 1 : i32
    %dma_wait3A_77 = arith.constant 0 : i32
    %dma_wait3A_78 = tpu.memref_slice %arg9[%dma_wait3A_76, %dma_wait3A_77] : memref<2x128xi32, #tpu.memory_space<vmem>> -> memref<1x128xi32, #tpu.memory_space<vmem>>
    %dma_wait3A_79 = tpu.memref_squeeze %dma_wait3A_78 : memref<1x128xi32, #tpu.memory_space<vmem>> -> memref<128xi32, #tpu.memory_space<vmem>>
    %dma_wait3A_80 = arith.constant 0 : i32
    %dma_wait3A_81 = tpu.memref_slice %arg8[%dma_wait3A_75, %dma_wait3A_80] : memref<2x128xi32, #tpu.memory_space<vmem>> -> memref<1x128xi32, #tpu.memory_space<vmem>>
    %dma_wait3A_82 = tpu.memref_squeeze %dma_wait3A_81 : memref<1x128xi32, #tpu.memory_space<vmem>> -> memref<128xi32, #tpu.memory_space<vmem>>
    %dma_wait3A_83 = arith.constant 0 : i32
    %dma_wait3A_84 = tpu.memref_slice %arg3[%dma_wait3A_83] : memref<32768xi32, #tpu.memory_space<hbm>> -> memref<32768xi32, #tpu.memory_space<hbm>>
    tpu.wait_indirect_dma semaphore(%arg18 : memref<!tpu.dma_semaphore, #tpu.memory_space<semaphore_mem>>) src(%dma_wait3A_84 : memref<32768xi32, #tpu.memory_space<hbm>>) dst(%dma_wait3A_79 : memref<128xi32, #tpu.memory_space<vmem>>)
    "tpu.trace_stop"() : () -> ()
    "tpu.trace_start"() <{level = 10 : i32, message = "p2_tmap"}> : () -> ()
    %add3A_85 = arith.constant 0 : i32
    %add3A_86 = arith.addi %add3A_85, %add3A : i32
    %mul3A_87 = arith.constant 16384 : i32
    %mul3A_88 = arith.muli %add3A_86, %mul3A_87 : i32
    %dma_start3A_89 = arith.constant 0 : i32
    %dma_start3A_90 = arith.constant 0 : i32
    %dma_start3A_91 = arith.constant 0 : i32
    %dma_start3A_92 = tpu.memref_slice %arg10[%dma_start3A_90, %dma_start3A_91] : memref<6x128xi32, #tpu.memory_space<vmem>> -> memref<1x128xi32, #tpu.memory_space<vmem>>
    %dma_start3A_93 = tpu.memref_squeeze %dma_start3A_92 : memref<1x128xi32, #tpu.memory_space<vmem>> -> memref<128xi32, #tpu.memory_space<vmem>>
    %dma_start3A_94 = arith.constant 0 : i32
    %dma_start3A_95 = tpu.memref_slice %arg9[%dma_start3A_89, %dma_start3A_94] : memref<2x128xi32, #tpu.memory_space<vmem>> -> memref<1x128xi32, #tpu.memory_space<vmem>>
    %dma_start3A_96 = tpu.memref_squeeze %dma_start3A_95 : memref<1x128xi32, #tpu.memory_space<vmem>> -> memref<128xi32, #tpu.memory_space<vmem>>
    %dma_start3A_97 = tpu.memref_slice %arg2[%mul3A_88] : memref<393216xi32, #tpu.memory_space<hbm>> -> memref<16384xi32, #tpu.memory_space<hbm>>
    %dma_start3A_98 = arith.constant 0 : i32
    %dma_start3A_99 = tpu.memref_slice %dma_start3A_97[%dma_start3A_98] : memref<16384xi32, #tpu.memory_space<hbm>> -> memref<16384xi32, #tpu.memory_space<hbm>>
    tpu.enqueue_indirect_dma source(%dma_start3A_99 : memref<16384xi32, #tpu.memory_space<hbm>>) target(%dma_start3A_93 : memref<128xi32, #tpu.memory_space<vmem>>) offsets(%dma_start3A_96 : memref<128xi32, #tpu.memory_space<vmem>>) semaphore(%arg18 : memref<!tpu.dma_semaphore, #tpu.memory_space<semaphore_mem>>)
    %add3A_100 = arith.constant 0 : i32
    %add3A_101 = arith.addi %add3A_100, %add3A : i32
    %mul3A_102 = arith.constant 16384 : i32
    %mul3A_103 = arith.muli %add3A_101, %mul3A_102 : i32
    %dma_start3A_104 = arith.constant 1 : i32
    %dma_start3A_105 = arith.constant 1 : i32
    %dma_start3A_106 = arith.constant 0 : i32
    %dma_start3A_107 = tpu.memref_slice %arg10[%dma_start3A_105, %dma_start3A_106] : memref<6x128xi32, #tpu.memory_space<vmem>> -> memref<1x128xi32, #tpu.memory_space<vmem>>
    %dma_start3A_108 = tpu.memref_squeeze %dma_start3A_107 : memref<1x128xi32, #tpu.memory_space<vmem>> -> memref<128xi32, #tpu.memory_space<vmem>>
    %dma_start3A_109 = arith.constant 0 : i32
    %dma_start3A_110 = tpu.memref_slice %arg9[%dma_start3A_104, %dma_start3A_109] : memref<2x128xi32, #tpu.memory_space<vmem>> -> memref<1x128xi32, #tpu.memory_space<vmem>>
    %dma_start3A_111 = tpu.memref_squeeze %dma_start3A_110 : memref<1x128xi32, #tpu.memory_space<vmem>> -> memref<128xi32, #tpu.memory_space<vmem>>
    %dma_start3A_112 = tpu.memref_slice %arg2[%mul3A_103] : memref<393216xi32, #tpu.memory_space<hbm>> -> memref<16384xi32, #tpu.memory_space<hbm>>
    %dma_start3A_113 = arith.constant 0 : i32
    %dma_start3A_114 = tpu.memref_slice %dma_start3A_112[%dma_start3A_113] : memref<16384xi32, #tpu.memory_space<hbm>> -> memref<16384xi32, #tpu.memory_space<hbm>>
    tpu.enqueue_indirect_dma source(%dma_start3A_114 : memref<16384xi32, #tpu.memory_space<hbm>>) target(%dma_start3A_108 : memref<128xi32, #tpu.memory_space<vmem>>) offsets(%dma_start3A_111 : memref<128xi32, #tpu.memory_space<vmem>>) semaphore(%arg18 : memref<!tpu.dma_semaphore, #tpu.memory_space<semaphore_mem>>)
    %add3A_115 = arith.constant 8 : i32
    %add3A_116 = arith.addi %add3A_115, %add3A : i32
    %mul3A_117 = arith.constant 16384 : i32
    %mul3A_118 = arith.muli %add3A_116, %mul3A_117 : i32
    %dma_start3A_119 = arith.constant 0 : i32
    %dma_start3A_120 = arith.constant 2 : i32
    %dma_start3A_121 = arith.constant 0 : i32
    %dma_start3A_122 = tpu.memref_slice %arg10[%dma_start3A_120, %dma_start3A_121] : memref<6x128xi32, #tpu.memory_space<vmem>> -> memref<1x128xi32, #tpu.memory_space<vmem>>
    %dma_start3A_123 = tpu.memref_squeeze %dma_start3A_122 : memref<1x128xi32, #tpu.memory_space<vmem>> -> memref<128xi32, #tpu.memory_space<vmem>>
    %dma_start3A_124 = arith.constant 0 : i32
    %dma_start3A_125 = tpu.memref_slice %arg9[%dma_start3A_119, %dma_start3A_124] : memref<2x128xi32, #tpu.memory_space<vmem>> -> memref<1x128xi32, #tpu.memory_space<vmem>>
    %dma_start3A_126 = tpu.memref_squeeze %dma_start3A_125 : memref<1x128xi32, #tpu.memory_space<vmem>> -> memref<128xi32, #tpu.memory_space<vmem>>
    %dma_start3A_127 = tpu.memref_slice %arg2[%mul3A_118] : memref<393216xi32, #tpu.memory_space<hbm>> -> memref<16384xi32, #tpu.memory_space<hbm>>
    %dma_start3A_128 = arith.constant 0 : i32
    %dma_start3A_129 = tpu.memref_slice %dma_start3A_127[%dma_start3A_128] : memref<16384xi32, #tpu.memory_space<hbm>> -> memref<16384xi32, #tpu.memory_space<hbm>>
    tpu.enqueue_indirect_dma source(%dma_start3A_129 : memref<16384xi32, #tpu.memory_space<hbm>>) target(%dma_start3A_123 : memref<128xi32, #tpu.memory_space<vmem>>) offsets(%dma_start3A_126 : memref<128xi32, #tpu.memory_space<vmem>>) semaphore(%arg18 : memref<!tpu.dma_semaphore, #tpu.memory_space<semaphore_mem>>)
    %add3A_130 = arith.constant 8 : i32
    %add3A_131 = arith.addi %add3A_130, %add3A : i32
    %mul3A_132 = arith.constant 16384 : i32
    %mul3A_133 = arith.muli %add3A_131, %mul3A_132 : i32
    %dma_start3A_134 = arith.constant 1 : i32
    %dma_start3A_135 = arith.constant 3 : i32
    %dma_start3A_136 = arith.constant 0 : i32
    %dma_start3A_137 = tpu.memref_slice %arg10[%dma_start3A_135, %dma_start3A_136] : memref<6x128xi32, #tpu.memory_space<vmem>> -> memref<1x128xi32, #tpu.memory_space<vmem>>
    %dma_start3A_138 = tpu.memref_squeeze %dma_start3A_137 : memref<1x128xi32, #tpu.memory_space<vmem>> -> memref<128xi32, #tpu.memory_space<vmem>>
    %dma_start3A_139 = arith.constant 0 : i32
    %dma_start3A_140 = tpu.memref_slice %arg9[%dma_start3A_134, %dma_start3A_139] : memref<2x128xi32, #tpu.memory_space<vmem>> -> memref<1x128xi32, #tpu.memory_space<vmem>>
    %dma_start3A_141 = tpu.memref_squeeze %dma_start3A_140 : memref<1x128xi32, #tpu.memory_space<vmem>> -> memref<128xi32, #tpu.memory_space<vmem>>
    %dma_start3A_142 = tpu.memref_slice %arg2[%mul3A_133] : memref<393216xi32, #tpu.memory_space<hbm>> -> memref<16384xi32, #tpu.memory_space<hbm>>
    %dma_start3A_143 = arith.constant 0 : i32
    %dma_start3A_144 = tpu.memref_slice %dma_start3A_142[%dma_start3A_143] : memref<16384xi32, #tpu.memory_space<hbm>> -> memref<16384xi32, #tpu.memory_space<hbm>>
    tpu.enqueue_indirect_dma source(%dma_start3A_144 : memref<16384xi32, #tpu.memory_space<hbm>>) target(%dma_start3A_138 : memref<128xi32, #tpu.memory_space<vmem>>) offsets(%dma_start3A_141 : memref<128xi32, #tpu.memory_space<vmem>>) semaphore(%arg18 : memref<!tpu.dma_semaphore, #tpu.memory_space<semaphore_mem>>)
    %add3A_145 = arith.constant 16 : i32
    %add3A_146 = arith.addi %add3A_145, %add3A : i32
    %mul3A_147 = arith.constant 16384 : i32
    %mul3A_148 = arith.muli %add3A_146, %mul3A_147 : i32
    %dma_start3A_149 = arith.constant 0 : i32
    %dma_start3A_150 = arith.constant 4 : i32
    %dma_start3A_151 = arith.constant 0 : i32
    %dma_start3A_152 = tpu.memref_slice %arg10[%dma_start3A_150, %dma_start3A_151] : memref<6x128xi32, #tpu.memory_space<vmem>> -> memref<1x128xi32, #tpu.memory_space<vmem>>
    %dma_start3A_153 = tpu.memref_squeeze %dma_start3A_152 : memref<1x128xi32, #tpu.memory_space<vmem>> -> memref<128xi32, #tpu.memory_space<vmem>>
    %dma_start3A_154 = arith.constant 0 : i32
    %dma_start3A_155 = tpu.memref_slice %arg9[%dma_start3A_149, %dma_start3A_154] : memref<2x128xi32, #tpu.memory_space<vmem>> -> memref<1x128xi32, #tpu.memory_space<vmem>>
    %dma_start3A_156 = tpu.memref_squeeze %dma_start3A_155 : memref<1x128xi32, #tpu.memory_space<vmem>> -> memref<128xi32, #tpu.memory_space<vmem>>
    %dma_start3A_157 = tpu.memref_slice %arg2[%mul3A_148] : memref<393216xi32, #tpu.memory_space<hbm>> -> memref<16384xi32, #tpu.memory_space<hbm>>
    %dma_start3A_158 = arith.constant 0 : i32
    %dma_start3A_159 = tpu.memref_slice %dma_start3A_157[%dma_start3A_158] : memref<16384xi32, #tpu.memory_space<hbm>> -> memref<16384xi32, #tpu.memory_space<hbm>>
    tpu.enqueue_indirect_dma source(%dma_start3A_159 : memref<16384xi32, #tpu.memory_space<hbm>>) target(%dma_start3A_153 : memref<128xi32, #tpu.memory_space<vmem>>) offsets(%dma_start3A_156 : memref<128xi32, #tpu.memory_space<vmem>>) semaphore(%arg18 : memref<!tpu.dma_semaphore, #tpu.memory_space<semaphore_mem>>)
    %add3A_160 = arith.constant 16 : i32
    %add3A_161 = arith.addi %add3A_160, %add3A : i32
    %mul3A_162 = arith.constant 16384 : i32
    %mul3A_163 = arith.muli %add3A_161, %mul3A_162 : i32
    %dma_start3A_164 = arith.constant 1 : i32
    %dma_start3A_165 = arith.constant 5 : i32
    %dma_start3A_166 = arith.constant 0 : i32
    %dma_start3A_167 = tpu.memref_slice %arg10[%dma_start3A_165, %dma_start3A_166] : memref<6x128xi32, #tpu.memory_space<vmem>> -> memref<1x128xi32, #tpu.memory_space<vmem>>
    %dma_start3A_168 = tpu.memref_squeeze %dma_start3A_167 : memref<1x128xi32, #tpu.memory_space<vmem>> -> memref<128xi32, #tpu.memory_space<vmem>>
    %dma_start3A_169 = arith.constant 0 : i32
    %dma_start3A_170 = tpu.memref_slice %arg9[%dma_start3A_164, %dma_start3A_169] : memref<2x128xi32, #tpu.memory_space<vmem>> -> memref<1x128xi32, #tpu.memory_space<vmem>>
    %dma_start3A_171 = tpu.memref_squeeze %dma_start3A_170 : memref<1x128xi32, #tpu.memory_space<vmem>> -> memref<128xi32, #tpu.memory_space<vmem>>
    %dma_start3A_172 = tpu.memref_slice %arg2[%mul3A_163] : memref<393216xi32, #tpu.memory_space<hbm>> -> memref<16384xi32, #tpu.memory_space<hbm>>
    %dma_start3A_173 = arith.constant 0 : i32
    %dma_start3A_174 = tpu.memref_slice %dma_start3A_172[%dma_start3A_173] : memref<16384xi32, #tpu.memory_space<hbm>> -> memref<16384xi32, #tpu.memory_space<hbm>>
    tpu.enqueue_indirect_dma source(%dma_start3A_174 : memref<16384xi32, #tpu.memory_space<hbm>>) target(%dma_start3A_168 : memref<128xi32, #tpu.memory_space<vmem>>) offsets(%dma_start3A_171 : memref<128xi32, #tpu.memory_space<vmem>>) semaphore(%arg18 : memref<!tpu.dma_semaphore, #tpu.memory_space<semaphore_mem>>)
    %dma_wait3A_175 = arith.constant 0 : i32
    %dma_wait3A_176 = arith.constant 0 : i32
    %dma_wait3A_177 = arith.constant 0 : i32
    %dma_wait3A_178 = tpu.memref_slice %arg10[%dma_wait3A_176, %dma_wait3A_177] : memref<6x128xi32, #tpu.memory_space<vmem>> -> memref<1x128xi32, #tpu.memory_space<vmem>>
    %dma_wait3A_179 = tpu.memref_squeeze %dma_wait3A_178 : memref<1x128xi32, #tpu.memory_space<vmem>> -> memref<128xi32, #tpu.memory_space<vmem>>
    %dma_wait3A_180 = arith.constant 0 : i32
    %dma_wait3A_181 = tpu.memref_slice %arg9[%dma_wait3A_175, %dma_wait3A_180] : memref<2x128xi32, #tpu.memory_space<vmem>> -> memref<1x128xi32, #tpu.memory_space<vmem>>
    %dma_wait3A_182 = tpu.memref_squeeze %dma_wait3A_181 : memref<1x128xi32, #tpu.memory_space<vmem>> -> memref<128xi32, #tpu.memory_space<vmem>>
    %dma_wait3A_183 = tpu.memref_slice %arg2[%mul3A_88] : memref<393216xi32, #tpu.memory_space<hbm>> -> memref<16384xi32, #tpu.memory_space<hbm>>
    %dma_wait3A_184 = arith.constant 0 : i32
    %dma_wait3A_185 = tpu.memref_slice %dma_wait3A_183[%dma_wait3A_184] : memref<16384xi32, #tpu.memory_space<hbm>> -> memref<16384xi32, #tpu.memory_space<hbm>>
    tpu.wait_indirect_dma semaphore(%arg18 : memref<!tpu.dma_semaphore, #tpu.memory_space<semaphore_mem>>) src(%dma_wait3A_185 : memref<16384xi32, #tpu.memory_space<hbm>>) dst(%dma_wait3A_179 : memref<128xi32, #tpu.memory_space<vmem>>)
    %dma_wait3A_186 = arith.constant 1 : i32
    %dma_wait3A_187 = arith.constant 1 : i32
    %dma_wait3A_188 = arith.constant 0 : i32
    %dma_wait3A_189 = tpu.memref_slice %arg10[%dma_wait3A_187, %dma_wait3A_188] : memref<6x128xi32, #tpu.memory_space<vmem>> -> memref<1x128xi32, #tpu.memory_space<vmem>>
    %dma_wait3A_190 = tpu.memref_squeeze %dma_wait3A_189 : memref<1x128xi32, #tpu.memory_space<vmem>> -> memref<128xi32, #tpu.memory_space<vmem>>
    %dma_wait3A_191 = arith.constant 0 : i32
    %dma_wait3A_192 = tpu.memref_slice %arg9[%dma_wait3A_186, %dma_wait3A_191] : memref<2x128xi32, #tpu.memory_space<vmem>> -> memref<1x128xi32, #tpu.memory_space<vmem>>
    %dma_wait3A_193 = tpu.memref_squeeze %dma_wait3A_192 : memref<1x128xi32, #tpu.memory_space<vmem>> -> memref<128xi32, #tpu.memory_space<vmem>>
    %dma_wait3A_194 = tpu.memref_slice %arg2[%mul3A_103] : memref<393216xi32, #tpu.memory_space<hbm>> -> memref<16384xi32, #tpu.memory_space<hbm>>
    %dma_wait3A_195 = arith.constant 0 : i32
    %dma_wait3A_196 = tpu.memref_slice %dma_wait3A_194[%dma_wait3A_195] : memref<16384xi32, #tpu.memory_space<hbm>> -> memref<16384xi32, #tpu.memory_space<hbm>>
    tpu.wait_indirect_dma semaphore(%arg18 : memref<!tpu.dma_semaphore, #tpu.memory_space<semaphore_mem>>) src(%dma_wait3A_196 : memref<16384xi32, #tpu.memory_space<hbm>>) dst(%dma_wait3A_190 : memref<128xi32, #tpu.memory_space<vmem>>)
    %dma_wait3A_197 = arith.constant 0 : i32
    %dma_wait3A_198 = arith.constant 2 : i32
    %dma_wait3A_199 = arith.constant 0 : i32
    %dma_wait3A_200 = tpu.memref_slice %arg10[%dma_wait3A_198, %dma_wait3A_199] : memref<6x128xi32, #tpu.memory_space<vmem>> -> memref<1x128xi32, #tpu.memory_space<vmem>>
    %dma_wait3A_201 = tpu.memref_squeeze %dma_wait3A_200 : memref<1x128xi32, #tpu.memory_space<vmem>> -> memref<128xi32, #tpu.memory_space<vmem>>
    %dma_wait3A_202 = arith.constant 0 : i32
    %dma_wait3A_203 = tpu.memref_slice %arg9[%dma_wait3A_197, %dma_wait3A_202] : memref<2x128xi32, #tpu.memory_space<vmem>> -> memref<1x128xi32, #tpu.memory_space<vmem>>
    %dma_wait3A_204 = tpu.memref_squeeze %dma_wait3A_203 : memref<1x128xi32, #tpu.memory_space<vmem>> -> memref<128xi32, #tpu.memory_space<vmem>>
    %dma_wait3A_205 = tpu.memref_slice %arg2[%mul3A_118] : memref<393216xi32, #tpu.memory_space<hbm>> -> memref<16384xi32, #tpu.memory_space<hbm>>
    %dma_wait3A_206 = arith.constant 0 : i32
    %dma_wait3A_207 = tpu.memref_slice %dma_wait3A_205[%dma_wait3A_206] : memref<16384xi32, #tpu.memory_space<hbm>> -> memref<16384xi32, #tpu.memory_space<hbm>>
    tpu.wait_indirect_dma semaphore(%arg18 : memref<!tpu.dma_semaphore, #tpu.memory_space<semaphore_mem>>) src(%dma_wait3A_207 : memref<16384xi32, #tpu.memory_space<hbm>>) dst(%dma_wait3A_201 : memref<128xi32, #tpu.memory_space<vmem>>)
    %dma_wait3A_208 = arith.constant 1 : i32
    %dma_wait3A_209 = arith.constant 3 : i32
    %dma_wait3A_210 = arith.constant 0 : i32
    %dma_wait3A_211 = tpu.memref_slice %arg10[%dma_wait3A_209, %dma_wait3A_210] : memref<6x128xi32, #tpu.memory_space<vmem>> -> memref<1x128xi32, #tpu.memory_space<vmem>>
    %dma_wait3A_212 = tpu.memref_squeeze %dma_wait3A_211 : memref<1x128xi32, #tpu.memory_space<vmem>> -> memref<128xi32, #tpu.memory_space<vmem>>
    %dma_wait3A_213 = arith.constant 0 : i32
    %dma_wait3A_214 = tpu.memref_slice %arg9[%dma_wait3A_208, %dma_wait3A_213] : memref<2x128xi32, #tpu.memory_space<vmem>> -> memref<1x128xi32, #tpu.memory_space<vmem>>
    %dma_wait3A_215 = tpu.memref_squeeze %dma_wait3A_214 : memref<1x128xi32, #tpu.memory_space<vmem>> -> memref<128xi32, #tpu.memory_space<vmem>>
    %dma_wait3A_216 = tpu.memref_slice %arg2[%mul3A_133] : memref<393216xi32, #tpu.memory_space<hbm>> -> memref<16384xi32, #tpu.memory_space<hbm>>
    %dma_wait3A_217 = arith.constant 0 : i32
    %dma_wait3A_218 = tpu.memref_slice %dma_wait3A_216[%dma_wait3A_217] : memref<16384xi32, #tpu.memory_space<hbm>> -> memref<16384xi32, #tpu.memory_space<hbm>>
    tpu.wait_indirect_dma semaphore(%arg18 : memref<!tpu.dma_semaphore, #tpu.memory_space<semaphore_mem>>) src(%dma_wait3A_218 : memref<16384xi32, #tpu.memory_space<hbm>>) dst(%dma_wait3A_212 : memref<128xi32, #tpu.memory_space<vmem>>)
    %dma_wait3A_219 = arith.constant 0 : i32
    %dma_wait3A_220 = arith.constant 4 : i32
    %dma_wait3A_221 = arith.constant 0 : i32
    %dma_wait3A_222 = tpu.memref_slice %arg10[%dma_wait3A_220, %dma_wait3A_221] : memref<6x128xi32, #tpu.memory_space<vmem>> -> memref<1x128xi32, #tpu.memory_space<vmem>>
    %dma_wait3A_223 = tpu.memref_squeeze %dma_wait3A_222 : memref<1x128xi32, #tpu.memory_space<vmem>> -> memref<128xi32, #tpu.memory_space<vmem>>
    %dma_wait3A_224 = arith.constant 0 : i32
    %dma_wait3A_225 = tpu.memref_slice %arg9[%dma_wait3A_219, %dma_wait3A_224] : memref<2x128xi32, #tpu.memory_space<vmem>> -> memref<1x128xi32, #tpu.memory_space<vmem>>
    %dma_wait3A_226 = tpu.memref_squeeze %dma_wait3A_225 : memref<1x128xi32, #tpu.memory_space<vmem>> -> memref<128xi32, #tpu.memory_space<vmem>>
    %dma_wait3A_227 = tpu.memref_slice %arg2[%mul3A_148] : memref<393216xi32, #tpu.memory_space<hbm>> -> memref<16384xi32, #tpu.memory_space<hbm>>
    %dma_wait3A_228 = arith.constant 0 : i32
    %dma_wait3A_229 = tpu.memref_slice %dma_wait3A_227[%dma_wait3A_228] : memref<16384xi32, #tpu.memory_space<hbm>> -> memref<16384xi32, #tpu.memory_space<hbm>>
    tpu.wait_indirect_dma semaphore(%arg18 : memref<!tpu.dma_semaphore, #tpu.memory_space<semaphore_mem>>) src(%dma_wait3A_229 : memref<16384xi32, #tpu.memory_space<hbm>>) dst(%dma_wait3A_223 : memref<128xi32, #tpu.memory_space<vmem>>)
    %dma_wait3A_230 = arith.constant 1 : i32
    %dma_wait3A_231 = arith.constant 5 : i32
    %dma_wait3A_232 = arith.constant 0 : i32
    %dma_wait3A_233 = tpu.memref_slice %arg10[%dma_wait3A_231, %dma_wait3A_232] : memref<6x128xi32, #tpu.memory_space<vmem>> -> memref<1x128xi32, #tpu.memory_space<vmem>>
    %dma_wait3A_234 = tpu.memref_squeeze %dma_wait3A_233 : memref<1x128xi32, #tpu.memory_space<vmem>> -> memref<128xi32, #tpu.memory_space<vmem>>
    %dma_wait3A_235 = arith.constant 0 : i32
    %dma_wait3A_236 = tpu.memref_slice %arg9[%dma_wait3A_230, %dma_wait3A_235] : memref<2x128xi32, #tpu.memory_space<vmem>> -> memref<1x128xi32, #tpu.memory_space<vmem>>
    %dma_wait3A_237 = tpu.memref_squeeze %dma_wait3A_236 : memref<1x128xi32, #tpu.memory_space<vmem>> -> memref<128xi32, #tpu.memory_space<vmem>>
    %dma_wait3A_238 = tpu.memref_slice %arg2[%mul3A_163] : memref<393216xi32, #tpu.memory_space<hbm>> -> memref<16384xi32, #tpu.memory_space<hbm>>
    %dma_wait3A_239 = arith.constant 0 : i32
    %dma_wait3A_240 = tpu.memref_slice %dma_wait3A_238[%dma_wait3A_239] : memref<16384xi32, #tpu.memory_space<hbm>> -> memref<16384xi32, #tpu.memory_space<hbm>>
    tpu.wait_indirect_dma semaphore(%arg18 : memref<!tpu.dma_semaphore, #tpu.memory_space<semaphore_mem>>) src(%dma_wait3A_240 : memref<16384xi32, #tpu.memory_space<hbm>>) dst(%dma_wait3A_234 : memref<128xi32, #tpu.memory_space<vmem>>)
    "tpu.trace_stop"() : () -> ()
    %mul3A_241 = arith.constant 4 : i32
    %mul3A_242 = arith.muli %add3A, %mul3A_241 : i32
    %add3A_243 = arith.addi %mul3A_242, %select_n3A_30 : i32
    %mul3A_244 = arith.constant 768 : i32
    %mul3A_245 = arith.muli %add3A_243, %mul3A_244 : i32
    "tpu.trace_start"() <{level = 10 : i32, message = "p3_mark"}> : () -> ()
    %scan3A_246 = arith.constant 0 : i32
    %scan3A_247 = arith.constant 0 : i32
    %scan3A_248 = arith.constant 48 : i32
    %scan3A_249 = arith.addi %scan3A_247, %scan3A_248 : i32
    %scan3A_250 = arith.constant 1 : i32
    %scan3A_251 = scf.for %scan3A_623 = %scan3A_247 to %scan3A_249 step %scan3A_250 iter_args(%scan3A_624 = %scan3A_246) -> (i32)  : i32 {
      %shift_right_arithmetic3A = arith.constant 3 : i32
      %shift_right_arithmetic3A_625 = arith.shrsi %scan3A_623, %shift_right_arithmetic3A : i32
      %and3A_626 = arith.constant 7 : i32
      %and3A_627 = arith.andi %scan3A_623, %and3A_626 : i32
      %mul3A_628 = arith.constant 16 : i32
      %mul3A_629 = arith.muli %and3A_627, %mul3A_628 : i32
      %get3A = arith.index_cast %shift_right_arithmetic3A_625 : i32 to index
      %get3A_630 = arith.index_cast %mul3A_629 : i32 to index
      %get3A_631 = tpu.vector_load %arg10[%get3A, %get3A_630] {strides = array<i32>} : memref<6x128xi32, #tpu.memory_space<vmem>>, vector<1x16xi32>,
      %get3A_632 = vector.shape_cast %get3A_631 : vector<1x16xi32> to vector<16xi32>
      %ge3A = arith.constant 0 : i32
      %ge3A_633 = vector.broadcast %ge3A : i32 to vector<16xi32>
      %ge3A_634 = arith.cmpi sge, %get3A_632, %ge3A_633 : vector<16xi32>
      %jit3A_635 = arith.constant 131072 : i32
      %broadcast_in_dim3A_636 = vector.broadcast %jit3A_635 : i32 to vector<16xi32>
      %select_n3A_637 = arith.select %ge3A_634, %get3A_632, %broadcast_in_dim3A_636 : vector<16xi1>, vector<16xi32>
      %mul3A_638 = arith.constant 131080 : i32
      %mul3A_639 = arith.muli %select_n3A, %mul3A_638 : i32
      %add3A_640 = vector.broadcast %mul3A_639 : i32 to vector<16xi32>
      %add3A_641 = arith.addi %select_n3A_637, %add3A_640 : vector<16xi32>
      %swap3A_642 = arith.index_cast %shift_right_arithmetic3A_625 : i32 to index
      %swap3A_643 = arith.index_cast %mul3A_629 : i32 to index
      %swap3A_644 = tpu.vector_load %arg11[%swap3A_642, %swap3A_643] {strides = array<i32>} : memref<6x128xi32, #tpu.memory_space<vmem>>, vector<1x16xi32>,
      %swap3A_645 = vector.shape_cast %swap3A_644 : vector<1x16xi32> to vector<16xi32>
      %swap3A_646 = vector.shape_cast %add3A_641 : vector<16xi32> to vector<1x16xi32>
      tpu.vector_store %arg11[%swap3A_642, %swap3A_643], %swap3A_646 {strides = array<i32>} : memref<6x128xi32, #tpu.memory_space<vmem>>, vector<1x16xi32>,
      %mul3A_647 = arith.constant 16 : i32
      %mul3A_648 = arith.muli %scan3A_623, %mul3A_647 : i32
      %add3A_649 = arith.addi %mul3A_245, %mul3A_648 : i32
      %add3A_650 = vector.broadcast %add3A_649 : i32 to vector<16xi32>
      %add3A_651 = arith.addi %add3A_650, %iota3A : vector<16xi32>
      %swap3A_652 = arith.index_cast %shift_right_arithmetic3A_625 : i32 to index
      %swap3A_653 = arith.index_cast %mul3A_629 : i32 to index
      %swap3A_654 = tpu.vector_load %arg12[%swap3A_652, %swap3A_653] {strides = array<i32>} : memref<6x128xi32, #tpu.memory_space<vmem>>, vector<1x16xi32>,
      %swap3A_655 = vector.shape_cast %swap3A_654 : vector<1x16xi32> to vector<16xi32>
      %swap3A_656 = vector.shape_cast %add3A_651 : vector<16xi32> to vector<1x16xi32>
      tpu.vector_store %arg12[%swap3A_652, %swap3A_653], %swap3A_656 {strides = array<i32>} : memref<6x128xi32, #tpu.memory_space<vmem>>, vector<1x16xi32>,
      %jit3A_657 = arith.constant 0 : i32
      %broadcast_in_dim3A_658 = vector.broadcast %jit3A_657 : i32 to vector<16xi32>
      %select_n3A_659 = arith.select %ge3A_634, %get3A_632, %broadcast_in_dim3A_658 : vector<16xi1>, vector<16xi32>
      %mul3A_660 = arith.constant 131072 : i32
      %mul3A_661 = arith.muli %add3A, %mul3A_660 : i32
      %add3A_662 = vector.broadcast %mul3A_661 : i32 to vector<16xi32>
      %add3A_663 = arith.addi %select_n3A_659, %add3A_662 : vector<16xi32>
      %swap3A_664 = arith.index_cast %shift_right_arithmetic3A_625 : i32 to index
      %swap3A_665 = arith.index_cast %mul3A_629 : i32 to index
      %swap3A_666 = tpu.vector_load %arg14[%swap3A_664, %swap3A_665] {strides = array<i32>} : memref<6x128xi32, #tpu.memory_space<vmem>>, vector<1x16xi32>,
      %swap3A_667 = vector.shape_cast %swap3A_666 : vector<1x16xi32> to vector<16xi32>
      %swap3A_668 = vector.shape_cast %add3A_663 : vector<16xi32> to vector<1x16xi32>
      tpu.vector_store %arg14[%swap3A_664, %swap3A_665], %swap3A_668 {strides = array<i32>} : memref<6x128xi32, #tpu.memory_space<vmem>>, vector<1x16xi32>,
      %scan3A_669 = arith.constant 0 : i32
      scf.yield %scan3A_669 : i32
    }
    %scan3A_252 = arith.constant 48 : i32
    %dma_start3A_253 = arith.constant 0 : i32
    %dma_start3A_254 = arith.constant 0 : i32
    "tpu.trace_stop"() : () -> ()
    "tpu.trace_start"() <{level = 10 : i32, message = "p4_scatter"}> : () -> ()
    %dma_start3A_255 = arith.constant 0 : i32
    %dma_start3A_256 = tpu.memref_slice %arg12[%dma_start3A_253, %dma_start3A_255] : memref<6x128xi32, #tpu.memory_space<vmem>> -> memref<1x128xi32, #tpu.memory_space<vmem>>
    %dma_start3A_257 = tpu.memref_squeeze %dma_start3A_256 : memref<1x128xi32, #tpu.memory_space<vmem>> -> memref<128xi32, #tpu.memory_space<vmem>>
    %dma_start3A_258 = arith.constant 0 : i32
    %dma_start3A_259 = tpu.memref_slice %arg11[%dma_start3A_254, %dma_start3A_258] : memref<6x128xi32, #tpu.memory_space<vmem>> -> memref<1x128xi32, #tpu.memory_space<vmem>>
    %dma_start3A_260 = tpu.memref_squeeze %dma_start3A_259 : memref<1x128xi32, #tpu.memory_space<vmem>> -> memref<128xi32, #tpu.memory_space<vmem>>
    %dma_start3A_261 = arith.constant 0 : i32
    %dma_start3A_262 = tpu.memref_slice %arg17[%dma_start3A_261] : memref<524320xi32, #tpu.memory_space<vmem_shared>> -> memref<524320xi32, #tpu.memory_space<vmem_shared>>
    tpu.enqueue_indirect_dma source(%dma_start3A_257 : memref<128xi32, #tpu.memory_space<vmem>>) target(%dma_start3A_262 : memref<524320xi32, #tpu.memory_space<vmem_shared>>) offsets(%dma_start3A_260 : memref<128xi32, #tpu.memory_space<vmem>>) semaphore(%arg18 : memref<!tpu.dma_semaphore, #tpu.memory_space<semaphore_mem>>)
    %dma_start3A_263 = arith.constant 1 : i32
    %dma_start3A_264 = arith.constant 1 : i32
    %dma_start3A_265 = arith.constant 0 : i32
    %dma_start3A_266 = tpu.memref_slice %arg12[%dma_start3A_263, %dma_start3A_265] : memref<6x128xi32, #tpu.memory_space<vmem>> -> memref<1x128xi32, #tpu.memory_space<vmem>>
    %dma_start3A_267 = tpu.memref_squeeze %dma_start3A_266 : memref<1x128xi32, #tpu.memory_space<vmem>> -> memref<128xi32, #tpu.memory_space<vmem>>
    %dma_start3A_268 = arith.constant 0 : i32
    %dma_start3A_269 = tpu.memref_slice %arg11[%dma_start3A_264, %dma_start3A_268] : memref<6x128xi32, #tpu.memory_space<vmem>> -> memref<1x128xi32, #tpu.memory_space<vmem>>
    %dma_start3A_270 = tpu.memref_squeeze %dma_start3A_269 : memref<1x128xi32, #tpu.memory_space<vmem>> -> memref<128xi32, #tpu.memory_space<vmem>>
    %dma_start3A_271 = arith.constant 0 : i32
    %dma_start3A_272 = tpu.memref_slice %arg17[%dma_start3A_271] : memref<524320xi32, #tpu.memory_space<vmem_shared>> -> memref<524320xi32, #tpu.memory_space<vmem_shared>>
    tpu.enqueue_indirect_dma source(%dma_start3A_267 : memref<128xi32, #tpu.memory_space<vmem>>) target(%dma_start3A_272 : memref<524320xi32, #tpu.memory_space<vmem_shared>>) offsets(%dma_start3A_270 : memref<128xi32, #tpu.memory_space<vmem>>) semaphore(%arg18 : memref<!tpu.dma_semaphore, #tpu.memory_space<semaphore_mem>>)
    %dma_start3A_273 = arith.constant 2 : i32
    %dma_start3A_274 = arith.constant 2 : i32
    %dma_start3A_275 = arith.constant 0 : i32
    %dma_start3A_276 = tpu.memref_slice %arg12[%dma_start3A_273, %dma_start3A_275] : memref<6x128xi32, #tpu.memory_space<vmem>> -> memref<1x128xi32, #tpu.memory_space<vmem>>
    %dma_start3A_277 = tpu.memref_squeeze %dma_start3A_276 : memref<1x128xi32, #tpu.memory_space<vmem>> -> memref<128xi32, #tpu.memory_space<vmem>>
    %dma_start3A_278 = arith.constant 0 : i32
    %dma_start3A_279 = tpu.memref_slice %arg11[%dma_start3A_274, %dma_start3A_278] : memref<6x128xi32, #tpu.memory_space<vmem>> -> memref<1x128xi32, #tpu.memory_space<vmem>>
    %dma_start3A_280 = tpu.memref_squeeze %dma_start3A_279 : memref<1x128xi32, #tpu.memory_space<vmem>> -> memref<128xi32, #tpu.memory_space<vmem>>
    %dma_start3A_281 = arith.constant 0 : i32
    %dma_start3A_282 = tpu.memref_slice %arg17[%dma_start3A_281] : memref<524320xi32, #tpu.memory_space<vmem_shared>> -> memref<524320xi32, #tpu.memory_space<vmem_shared>>
    tpu.enqueue_indirect_dma source(%dma_start3A_277 : memref<128xi32, #tpu.memory_space<vmem>>) target(%dma_start3A_282 : memref<524320xi32, #tpu.memory_space<vmem_shared>>) offsets(%dma_start3A_280 : memref<128xi32, #tpu.memory_space<vmem>>) semaphore(%arg18 : memref<!tpu.dma_semaphore, #tpu.memory_space<semaphore_mem>>)
    %dma_start3A_283 = arith.constant 3 : i32
    %dma_start3A_284 = arith.constant 3 : i32
    %dma_start3A_285 = arith.constant 0 : i32
    %dma_start3A_286 = tpu.memref_slice %arg12[%dma_start3A_283, %dma_start3A_285] : memref<6x128xi32, #tpu.memory_space<vmem>> -> memref<1x128xi32, #tpu.memory_space<vmem>>
    %dma_start3A_287 = tpu.memref_squeeze %dma_start3A_286 : memref<1x128xi32, #tpu.memory_space<vmem>> -> memref<128xi32, #tpu.memory_space<vmem>>
    %dma_start3A_288 = arith.constant 0 : i32
    %dma_start3A_289 = tpu.memref_slice %arg11[%dma_start3A_284, %dma_start3A_288] : memref<6x128xi32, #tpu.memory_space<vmem>> -> memref<1x128xi32, #tpu.memory_space<vmem>>
    %dma_start3A_290 = tpu.memref_squeeze %dma_start3A_289 : memref<1x128xi32, #tpu.memory_space<vmem>> -> memref<128xi32, #tpu.memory_space<vmem>>
    %dma_start3A_291 = arith.constant 0 : i32
    %dma_start3A_292 = tpu.memref_slice %arg17[%dma_start3A_291] : memref<524320xi32, #tpu.memory_space<vmem_shared>> -> memref<524320xi32, #tpu.memory_space<vmem_shared>>
    tpu.enqueue_indirect_dma source(%dma_start3A_287 : memref<128xi32, #tpu.memory_space<vmem>>) target(%dma_start3A_292 : memref<524320xi32, #tpu.memory_space<vmem_shared>>) offsets(%dma_start3A_290 : memref<128xi32, #tpu.memory_space<vmem>>) semaphore(%arg18 : memref<!tpu.dma_semaphore, #tpu.memory_space<semaphore_mem>>)
    %dma_start3A_293 = arith.constant 4 : i32
    %dma_start3A_294 = arith.constant 4 : i32
    %dma_start3A_295 = arith.constant 0 : i32
    %dma_start3A_296 = tpu.memref_slice %arg12[%dma_start3A_293, %dma_start3A_295] : memref<6x128xi32, #tpu.memory_space<vmem>> -> memref<1x128xi32, #tpu.memory_space<vmem>>
    %dma_start3A_297 = tpu.memref_squeeze %dma_start3A_296 : memref<1x128xi32, #tpu.memory_space<vmem>> -> memref<128xi32, #tpu.memory_space<vmem>>
    %dma_start3A_298 = arith.constant 0 : i32
    %dma_start3A_299 = tpu.memref_slice %arg11[%dma_start3A_294, %dma_start3A_298] : memref<6x128xi32, #tpu.memory_space<vmem>> -> memref<1x128xi32, #tpu.memory_space<vmem>>
    %dma_start3A_300 = tpu.memref_squeeze %dma_start3A_299 : memref<1x128xi32, #tpu.memory_space<vmem>> -> memref<128xi32, #tpu.memory_space<vmem>>
    %dma_start3A_301 = arith.constant 0 : i32
    %dma_start3A_302 = tpu.memref_slice %arg17[%dma_start3A_301] : memref<524320xi32, #tpu.memory_space<vmem_shared>> -> memref<524320xi32, #tpu.memory_space<vmem_shared>>
    tpu.enqueue_indirect_dma source(%dma_start3A_297 : memref<128xi32, #tpu.memory_space<vmem>>) target(%dma_start3A_302 : memref<524320xi32, #tpu.memory_space<vmem_shared>>) offsets(%dma_start3A_300 : memref<128xi32, #tpu.memory_space<vmem>>) semaphore(%arg18 : memref<!tpu.dma_semaphore, #tpu.memory_space<semaphore_mem>>)
    %dma_start3A_303 = arith.constant 5 : i32
    %dma_start3A_304 = arith.constant 5 : i32
    %dma_start3A_305 = arith.constant 0 : i32
    %dma_start3A_306 = tpu.memref_slice %arg12[%dma_start3A_303, %dma_start3A_305] : memref<6x128xi32, #tpu.memory_space<vmem>> -> memref<1x128xi32, #tpu.memory_space<vmem>>
    %dma_start3A_307 = tpu.memref_squeeze %dma_start3A_306 : memref<1x128xi32, #tpu.memory_space<vmem>> -> memref<128xi32, #tpu.memory_space<vmem>>
    %dma_start3A_308 = arith.constant 0 : i32
    %dma_start3A_309 = tpu.memref_slice %arg11[%dma_start3A_304, %dma_start3A_308] : memref<6x128xi32, #tpu.memory_space<vmem>> -> memref<1x128xi32, #tpu.memory_space<vmem>>
    %dma_start3A_310 = tpu.memref_squeeze %dma_start3A_309 : memref<1x128xi32, #tpu.memory_space<vmem>> -> memref<128xi32, #tpu.memory_space<vmem>>
    %dma_start3A_311 = arith.constant 0 : i32
    %dma_start3A_312 = tpu.memref_slice %arg17[%dma_start3A_311] : memref<524320xi32, #tpu.memory_space<vmem_shared>> -> memref<524320xi32, #tpu.memory_space<vmem_shared>>
    tpu.enqueue_indirect_dma source(%dma_start3A_307 : memref<128xi32, #tpu.memory_space<vmem>>) target(%dma_start3A_312 : memref<524320xi32, #tpu.memory_space<vmem_shared>>) offsets(%dma_start3A_310 : memref<128xi32, #tpu.memory_space<vmem>>) semaphore(%arg18 : memref<!tpu.dma_semaphore, #tpu.memory_space<semaphore_mem>>)
    %dma_start3A_313 = arith.constant 0 : i32
    %dma_start3A_314 = arith.constant 0 : i32
    %dma_start3A_315 = arith.constant 0 : i32
    %dma_start3A_316 = tpu.memref_slice %arg15[%dma_start3A_314, %dma_start3A_315] : memref<6x128xf32, #tpu.memory_space<vmem>> -> memref<1x128xf32, #tpu.memory_space<vmem>>
    %dma_start3A_317 = tpu.memref_squeeze %dma_start3A_316 : memref<1x128xf32, #tpu.memory_space<vmem>> -> memref<128xf32, #tpu.memory_space<vmem>>
    %dma_start3A_318 = arith.constant 0 : i32
    %dma_start3A_319 = tpu.memref_slice %arg14[%dma_start3A_313, %dma_start3A_318] : memref<6x128xi32, #tpu.memory_space<vmem>> -> memref<1x128xi32, #tpu.memory_space<vmem>>
    %dma_start3A_320 = tpu.memref_squeeze %dma_start3A_319 : memref<1x128xi32, #tpu.memory_space<vmem>> -> memref<128xi32, #tpu.memory_space<vmem>>
    %dma_start3A_321 = arith.constant 0 : i32
    %dma_start3A_322 = tpu.memref_slice %arg5[%dma_start3A_321] : memref<1048576xf32, #tpu.memory_space<hbm>> -> memref<1048576xf32, #tpu.memory_space<hbm>>
    tpu.enqueue_indirect_dma source(%dma_start3A_322 : memref<1048576xf32, #tpu.memory_space<hbm>>) target(%dma_start3A_317 : memref<128xf32, #tpu.memory_space<vmem>>) offsets(%dma_start3A_320 : memref<128xi32, #tpu.memory_space<vmem>>) semaphore(%arg19 : memref<!tpu.dma_semaphore, #tpu.memory_space<semaphore_mem>>)
    %dma_start3A_323 = arith.constant 1 : i32
    %dma_start3A_324 = arith.constant 1 : i32
    %dma_start3A_325 = arith.constant 0 : i32
    %dma_start3A_326 = tpu.memref_slice %arg15[%dma_start3A_324, %dma_start3A_325] : memref<6x128xf32, #tpu.memory_space<vmem>> -> memref<1x128xf32, #tpu.memory_space<vmem>>
    %dma_start3A_327 = tpu.memref_squeeze %dma_start3A_326 : memref<1x128xf32, #tpu.memory_space<vmem>> -> memref<128xf32, #tpu.memory_space<vmem>>
    %dma_start3A_328 = arith.constant 0 : i32
    %dma_start3A_329 = tpu.memref_slice %arg14[%dma_start3A_323, %dma_start3A_328] : memref<6x128xi32, #tpu.memory_space<vmem>> -> memref<1x128xi32, #tpu.memory_space<vmem>>
    %dma_start3A_330 = tpu.memref_squeeze %dma_start3A_329 : memref<1x128xi32, #tpu.memory_space<vmem>> -> memref<128xi32, #tpu.memory_space<vmem>>
    %dma_start3A_331 = arith.constant 0 : i32
    %dma_start3A_332 = tpu.memref_slice %arg5[%dma_start3A_331] : memref<1048576xf32, #tpu.memory_space<hbm>> -> memref<1048576xf32, #tpu.memory_space<hbm>>
    tpu.enqueue_indirect_dma source(%dma_start3A_332 : memref<1048576xf32, #tpu.memory_space<hbm>>) target(%dma_start3A_327 : memref<128xf32, #tpu.memory_space<vmem>>) offsets(%dma_start3A_330 : memref<128xi32, #tpu.memory_space<vmem>>) semaphore(%arg19 : memref<!tpu.dma_semaphore, #tpu.memory_space<semaphore_mem>>)
    %dma_start3A_333 = arith.constant 2 : i32
    %dma_start3A_334 = arith.constant 2 : i32
    %dma_start3A_335 = arith.constant 0 : i32
    %dma_start3A_336 = tpu.memref_slice %arg15[%dma_start3A_334, %dma_start3A_335] : memref<6x128xf32, #tpu.memory_space<vmem>> -> memref<1x128xf32, #tpu.memory_space<vmem>>
    %dma_start3A_337 = tpu.memref_squeeze %dma_start3A_336 : memref<1x128xf32, #tpu.memory_space<vmem>> -> memref<128xf32, #tpu.memory_space<vmem>>
    %dma_start3A_338 = arith.constant 0 : i32
    %dma_start3A_339 = tpu.memref_slice %arg14[%dma_start3A_333, %dma_start3A_338] : memref<6x128xi32, #tpu.memory_space<vmem>> -> memref<1x128xi32, #tpu.memory_space<vmem>>
    %dma_start3A_340 = tpu.memref_squeeze %dma_start3A_339 : memref<1x128xi32, #tpu.memory_space<vmem>> -> memref<128xi32, #tpu.memory_space<vmem>>
    %dma_start3A_341 = arith.constant 0 : i32
    %dma_start3A_342 = tpu.memref_slice %arg5[%dma_start3A_341] : memref<1048576xf32, #tpu.memory_space<hbm>> -> memref<1048576xf32, #tpu.memory_space<hbm>>
    tpu.enqueue_indirect_dma source(%dma_start3A_342 : memref<1048576xf32, #tpu.memory_space<hbm>>) target(%dma_start3A_337 : memref<128xf32, #tpu.memory_space<vmem>>) offsets(%dma_start3A_340 : memref<128xi32, #tpu.memory_space<vmem>>) semaphore(%arg19 : memref<!tpu.dma_semaphore, #tpu.memory_space<semaphore_mem>>)
    %dma_start3A_343 = arith.constant 3 : i32
    %dma_start3A_344 = arith.constant 3 : i32
    %dma_start3A_345 = arith.constant 0 : i32
    %dma_start3A_346 = tpu.memref_slice %arg15[%dma_start3A_344, %dma_start3A_345] : memref<6x128xf32, #tpu.memory_space<vmem>> -> memref<1x128xf32, #tpu.memory_space<vmem>>
    %dma_start3A_347 = tpu.memref_squeeze %dma_start3A_346 : memref<1x128xf32, #tpu.memory_space<vmem>> -> memref<128xf32, #tpu.memory_space<vmem>>
    %dma_start3A_348 = arith.constant 0 : i32
    %dma_start3A_349 = tpu.memref_slice %arg14[%dma_start3A_343, %dma_start3A_348] : memref<6x128xi32, #tpu.memory_space<vmem>> -> memref<1x128xi32, #tpu.memory_space<vmem>>
    %dma_start3A_350 = tpu.memref_squeeze %dma_start3A_349 : memref<1x128xi32, #tpu.memory_space<vmem>> -> memref<128xi32, #tpu.memory_space<vmem>>
    %dma_start3A_351 = arith.constant 0 : i32
    %dma_start3A_352 = tpu.memref_slice %arg5[%dma_start3A_351] : memref<1048576xf32, #tpu.memory_space<hbm>> -> memref<1048576xf32, #tpu.memory_space<hbm>>
    tpu.enqueue_indirect_dma source(%dma_start3A_352 : memref<1048576xf32, #tpu.memory_space<hbm>>) target(%dma_start3A_347 : memref<128xf32, #tpu.memory_space<vmem>>) offsets(%dma_start3A_350 : memref<128xi32, #tpu.memory_space<vmem>>) semaphore(%arg19 : memref<!tpu.dma_semaphore, #tpu.memory_space<semaphore_mem>>)
    %dma_start3A_353 = arith.constant 4 : i32
    %dma_start3A_354 = arith.constant 4 : i32
    %dma_start3A_355 = arith.constant 0 : i32
    %dma_start3A_356 = tpu.memref_slice %arg15[%dma_start3A_354, %dma_start3A_355] : memref<6x128xf32, #tpu.memory_space<vmem>> -> memref<1x128xf32, #tpu.memory_space<vmem>>
    %dma_start3A_357 = tpu.memref_squeeze %dma_start3A_356 : memref<1x128xf32, #tpu.memory_space<vmem>> -> memref<128xf32, #tpu.memory_space<vmem>>
    %dma_start3A_358 = arith.constant 0 : i32
    %dma_start3A_359 = tpu.memref_slice %arg14[%dma_start3A_353, %dma_start3A_358] : memref<6x128xi32, #tpu.memory_space<vmem>> -> memref<1x128xi32, #tpu.memory_space<vmem>>
    %dma_start3A_360 = tpu.memref_squeeze %dma_start3A_359 : memref<1x128xi32, #tpu.memory_space<vmem>> -> memref<128xi32, #tpu.memory_space<vmem>>
    %dma_start3A_361 = arith.constant 0 : i32
    %dma_start3A_362 = tpu.memref_slice %arg5[%dma_start3A_361] : memref<1048576xf32, #tpu.memory_space<hbm>> -> memref<1048576xf32, #tpu.memory_space<hbm>>
    tpu.enqueue_indirect_dma source(%dma_start3A_362 : memref<1048576xf32, #tpu.memory_space<hbm>>) target(%dma_start3A_357 : memref<128xf32, #tpu.memory_space<vmem>>) offsets(%dma_start3A_360 : memref<128xi32, #tpu.memory_space<vmem>>) semaphore(%arg19 : memref<!tpu.dma_semaphore, #tpu.memory_space<semaphore_mem>>)
    %dma_start3A_363 = arith.constant 5 : i32
    %dma_start3A_364 = arith.constant 5 : i32
    %dma_start3A_365 = arith.constant 0 : i32
    %dma_start3A_366 = tpu.memref_slice %arg15[%dma_start3A_364, %dma_start3A_365] : memref<6x128xf32, #tpu.memory_space<vmem>> -> memref<1x128xf32, #tpu.memory_space<vmem>>
    %dma_start3A_367 = tpu.memref_squeeze %dma_start3A_366 : memref<1x128xf32, #tpu.memory_space<vmem>> -> memref<128xf32, #tpu.memory_space<vmem>>
    %dma_start3A_368 = arith.constant 0 : i32
    %dma_start3A_369 = tpu.memref_slice %arg14[%dma_start3A_363, %dma_start3A_368] : memref<6x128xi32, #tpu.memory_space<vmem>> -> memref<1x128xi32, #tpu.memory_space<vmem>>
    %dma_start3A_370 = tpu.memref_squeeze %dma_start3A_369 : memref<1x128xi32, #tpu.memory_space<vmem>> -> memref<128xi32, #tpu.memory_space<vmem>>
    %dma_start3A_371 = arith.constant 0 : i32
    %dma_start3A_372 = tpu.memref_slice %arg5[%dma_start3A_371] : memref<1048576xf32, #tpu.memory_space<hbm>> -> memref<1048576xf32, #tpu.memory_space<hbm>>
    tpu.enqueue_indirect_dma source(%dma_start3A_372 : memref<1048576xf32, #tpu.memory_space<hbm>>) target(%dma_start3A_367 : memref<128xf32, #tpu.memory_space<vmem>>) offsets(%dma_start3A_370 : memref<128xi32, #tpu.memory_space<vmem>>) semaphore(%arg19 : memref<!tpu.dma_semaphore, #tpu.memory_space<semaphore_mem>>)
    %dma_wait3A_373 = arith.constant 0 : i32
    %dma_wait3A_374 = arith.constant 0 : i32
    %dma_wait3A_375 = arith.constant 0 : i32
    %dma_wait3A_376 = tpu.memref_slice %arg12[%dma_wait3A_373, %dma_wait3A_375] : memref<6x128xi32, #tpu.memory_space<vmem>> -> memref<1x128xi32, #tpu.memory_space<vmem>>
    %dma_wait3A_377 = tpu.memref_squeeze %dma_wait3A_376 : memref<1x128xi32, #tpu.memory_space<vmem>> -> memref<128xi32, #tpu.memory_space<vmem>>
    %dma_wait3A_378 = arith.constant 0 : i32
    %dma_wait3A_379 = tpu.memref_slice %arg11[%dma_wait3A_374, %dma_wait3A_378] : memref<6x128xi32, #tpu.memory_space<vmem>> -> memref<1x128xi32, #tpu.memory_space<vmem>>
    %dma_wait3A_380 = tpu.memref_squeeze %dma_wait3A_379 : memref<1x128xi32, #tpu.memory_space<vmem>> -> memref<128xi32, #tpu.memory_space<vmem>>
    %dma_wait3A_381 = arith.constant 0 : i32
    %dma_wait3A_382 = tpu.memref_slice %arg17[%dma_wait3A_381] : memref<524320xi32, #tpu.memory_space<vmem_shared>> -> memref<524320xi32, #tpu.memory_space<vmem_shared>>
    tpu.wait_indirect_dma semaphore(%arg18 : memref<!tpu.dma_semaphore, #tpu.memory_space<semaphore_mem>>) src(%dma_wait3A_377 : memref<128xi32, #tpu.memory_space<vmem>>) dst(%dma_wait3A_382 : memref<524320xi32, #tpu.memory_space<vmem_shared>>)
    %dma_wait3A_383 = arith.constant 1 : i32
    %dma_wait3A_384 = arith.constant 1 : i32
    %dma_wait3A_385 = arith.constant 0 : i32
    %dma_wait3A_386 = tpu.memref_slice %arg12[%dma_wait3A_383, %dma_wait3A_385] : memref<6x128xi32, #tpu.memory_space<vmem>> -> memref<1x128xi32, #tpu.memory_space<vmem>>
    %dma_wait3A_387 = tpu.memref_squeeze %dma_wait3A_386 : memref<1x128xi32, #tpu.memory_space<vmem>> -> memref<128xi32, #tpu.memory_space<vmem>>
    %dma_wait3A_388 = arith.constant 0 : i32
    %dma_wait3A_389 = tpu.memref_slice %arg11[%dma_wait3A_384, %dma_wait3A_388] : memref<6x128xi32, #tpu.memory_space<vmem>> -> memref<1x128xi32, #tpu.memory_space<vmem>>
    %dma_wait3A_390 = tpu.memref_squeeze %dma_wait3A_389 : memref<1x128xi32, #tpu.memory_space<vmem>> -> memref<128xi32, #tpu.memory_space<vmem>>
    %dma_wait3A_391 = arith.constant 0 : i32
    %dma_wait3A_392 = tpu.memref_slice %arg17[%dma_wait3A_391] : memref<524320xi32, #tpu.memory_space<vmem_shared>> -> memref<524320xi32, #tpu.memory_space<vmem_shared>>
    tpu.wait_indirect_dma semaphore(%arg18 : memref<!tpu.dma_semaphore, #tpu.memory_space<semaphore_mem>>) src(%dma_wait3A_387 : memref<128xi32, #tpu.memory_space<vmem>>) dst(%dma_wait3A_392 : memref<524320xi32, #tpu.memory_space<vmem_shared>>)
    %dma_wait3A_393 = arith.constant 2 : i32
    %dma_wait3A_394 = arith.constant 2 : i32
    %dma_wait3A_395 = arith.constant 0 : i32
    %dma_wait3A_396 = tpu.memref_slice %arg12[%dma_wait3A_393, %dma_wait3A_395] : memref<6x128xi32, #tpu.memory_space<vmem>> -> memref<1x128xi32, #tpu.memory_space<vmem>>
    %dma_wait3A_397 = tpu.memref_squeeze %dma_wait3A_396 : memref<1x128xi32, #tpu.memory_space<vmem>> -> memref<128xi32, #tpu.memory_space<vmem>>
    %dma_wait3A_398 = arith.constant 0 : i32
    %dma_wait3A_399 = tpu.memref_slice %arg11[%dma_wait3A_394, %dma_wait3A_398] : memref<6x128xi32, #tpu.memory_space<vmem>> -> memref<1x128xi32, #tpu.memory_space<vmem>>
    %dma_wait3A_400 = tpu.memref_squeeze %dma_wait3A_399 : memref<1x128xi32, #tpu.memory_space<vmem>> -> memref<128xi32, #tpu.memory_space<vmem>>
    %dma_wait3A_401 = arith.constant 0 : i32
    %dma_wait3A_402 = tpu.memref_slice %arg17[%dma_wait3A_401] : memref<524320xi32, #tpu.memory_space<vmem_shared>> -> memref<524320xi32, #tpu.memory_space<vmem_shared>>
    tpu.wait_indirect_dma semaphore(%arg18 : memref<!tpu.dma_semaphore, #tpu.memory_space<semaphore_mem>>) src(%dma_wait3A_397 : memref<128xi32, #tpu.memory_space<vmem>>) dst(%dma_wait3A_402 : memref<524320xi32, #tpu.memory_space<vmem_shared>>)
    %dma_wait3A_403 = arith.constant 3 : i32
    %dma_wait3A_404 = arith.constant 3 : i32
    %dma_wait3A_405 = arith.constant 0 : i32
    %dma_wait3A_406 = tpu.memref_slice %arg12[%dma_wait3A_403, %dma_wait3A_405] : memref<6x128xi32, #tpu.memory_space<vmem>> -> memref<1x128xi32, #tpu.memory_space<vmem>>
    %dma_wait3A_407 = tpu.memref_squeeze %dma_wait3A_406 : memref<1x128xi32, #tpu.memory_space<vmem>> -> memref<128xi32, #tpu.memory_space<vmem>>
    %dma_wait3A_408 = arith.constant 0 : i32
    %dma_wait3A_409 = tpu.memref_slice %arg11[%dma_wait3A_404, %dma_wait3A_408] : memref<6x128xi32, #tpu.memory_space<vmem>> -> memref<1x128xi32, #tpu.memory_space<vmem>>
    %dma_wait3A_410 = tpu.memref_squeeze %dma_wait3A_409 : memref<1x128xi32, #tpu.memory_space<vmem>> -> memref<128xi32, #tpu.memory_space<vmem>>
    %dma_wait3A_411 = arith.constant 0 : i32
    %dma_wait3A_412 = tpu.memref_slice %arg17[%dma_wait3A_411] : memref<524320xi32, #tpu.memory_space<vmem_shared>> -> memref<524320xi32, #tpu.memory_space<vmem_shared>>
    tpu.wait_indirect_dma semaphore(%arg18 : memref<!tpu.dma_semaphore, #tpu.memory_space<semaphore_mem>>) src(%dma_wait3A_407 : memref<128xi32, #tpu.memory_space<vmem>>) dst(%dma_wait3A_412 : memref<524320xi32, #tpu.memory_space<vmem_shared>>)
    %dma_wait3A_413 = arith.constant 4 : i32
    %dma_wait3A_414 = arith.constant 4 : i32
    %dma_wait3A_415 = arith.constant 0 : i32
    %dma_wait3A_416 = tpu.memref_slice %arg12[%dma_wait3A_413, %dma_wait3A_415] : memref<6x128xi32, #tpu.memory_space<vmem>> -> memref<1x128xi32, #tpu.memory_space<vmem>>
    %dma_wait3A_417 = tpu.memref_squeeze %dma_wait3A_416 : memref<1x128xi32, #tpu.memory_space<vmem>> -> memref<128xi32, #tpu.memory_space<vmem>>
    %dma_wait3A_418 = arith.constant 0 : i32
    %dma_wait3A_419 = tpu.memref_slice %arg11[%dma_wait3A_414, %dma_wait3A_418] : memref<6x128xi32, #tpu.memory_space<vmem>> -> memref<1x128xi32, #tpu.memory_space<vmem>>
    %dma_wait3A_420 = tpu.memref_squeeze %dma_wait3A_419 : memref<1x128xi32, #tpu.memory_space<vmem>> -> memref<128xi32, #tpu.memory_space<vmem>>
    %dma_wait3A_421 = arith.constant 0 : i32
    %dma_wait3A_422 = tpu.memref_slice %arg17[%dma_wait3A_421] : memref<524320xi32, #tpu.memory_space<vmem_shared>> -> memref<524320xi32, #tpu.memory_space<vmem_shared>>
    tpu.wait_indirect_dma semaphore(%arg18 : memref<!tpu.dma_semaphore, #tpu.memory_space<semaphore_mem>>) src(%dma_wait3A_417 : memref<128xi32, #tpu.memory_space<vmem>>) dst(%dma_wait3A_422 : memref<524320xi32, #tpu.memory_space<vmem_shared>>)
    %dma_wait3A_423 = arith.constant 5 : i32
    %dma_wait3A_424 = arith.constant 5 : i32
    %dma_wait3A_425 = arith.constant 0 : i32
    %dma_wait3A_426 = tpu.memref_slice %arg12[%dma_wait3A_423, %dma_wait3A_425] : memref<6x128xi32, #tpu.memory_space<vmem>> -> memref<1x128xi32, #tpu.memory_space<vmem>>
    %dma_wait3A_427 = tpu.memref_squeeze %dma_wait3A_426 : memref<1x128xi32, #tpu.memory_space<vmem>> -> memref<128xi32, #tpu.memory_space<vmem>>
    %dma_wait3A_428 = arith.constant 0 : i32
    %dma_wait3A_429 = tpu.memref_slice %arg11[%dma_wait3A_424, %dma_wait3A_428] : memref<6x128xi32, #tpu.memory_space<vmem>> -> memref<1x128xi32, #tpu.memory_space<vmem>>
    %dma_wait3A_430 = tpu.memref_squeeze %dma_wait3A_429 : memref<1x128xi32, #tpu.memory_space<vmem>> -> memref<128xi32, #tpu.memory_space<vmem>>
    %dma_wait3A_431 = arith.constant 0 : i32
    %dma_wait3A_432 = tpu.memref_slice %arg17[%dma_wait3A_431] : memref<524320xi32, #tpu.memory_space<vmem_shared>> -> memref<524320xi32, #tpu.memory_space<vmem_shared>>
    tpu.wait_indirect_dma semaphore(%arg18 : memref<!tpu.dma_semaphore, #tpu.memory_space<semaphore_mem>>) src(%dma_wait3A_427 : memref<128xi32, #tpu.memory_space<vmem>>) dst(%dma_wait3A_432 : memref<524320xi32, #tpu.memory_space<vmem_shared>>)
    "tpu.trace_stop"() : () -> ()
    "tpu.trace_start"() <{level = 10 : i32, message = "p4b_barrier"}> : () -> ()
    %barrier3A = arith.constant 0 : index
    tpu.barrier barrier_id(%barrier3A)
    %dma_start3A_433 = arith.constant 0 : i32
    %dma_start3A_434 = arith.constant 0 : i32
    "tpu.trace_stop"() : () -> ()
    "tpu.trace_start"() <{level = 10 : i32, message = "p5_wback"}> : () -> ()
    %dma_start3A_435 = arith.constant 0 : i32
    %dma_start3A_436 = tpu.memref_slice %arg13[%dma_start3A_434, %dma_start3A_435] : memref<6x128xi32, #tpu.memory_space<vmem>> -> memref<1x128xi32, #tpu.memory_space<vmem>>
    %dma_start3A_437 = tpu.memref_squeeze %dma_start3A_436 : memref<1x128xi32, #tpu.memory_space<vmem>> -> memref<128xi32, #tpu.memory_space<vmem>>
    %dma_start3A_438 = arith.constant 0 : i32
    %dma_start3A_439 = tpu.memref_slice %arg11[%dma_start3A_433, %dma_start3A_438] : memref<6x128xi32, #tpu.memory_space<vmem>> -> memref<1x128xi32, #tpu.memory_space<vmem>>
    %dma_start3A_440 = tpu.memref_squeeze %dma_start3A_439 : memref<1x128xi32, #tpu.memory_space<vmem>> -> memref<128xi32, #tpu.memory_space<vmem>>
    %dma_start3A_441 = arith.constant 0 : i32
    %dma_start3A_442 = tpu.memref_slice %arg17[%dma_start3A_441] : memref<524320xi32, #tpu.memory_space<vmem_shared>> -> memref<524320xi32, #tpu.memory_space<vmem_shared>>
    tpu.enqueue_indirect_dma source(%dma_start3A_442 : memref<524320xi32, #tpu.memory_space<vmem_shared>>) target(%dma_start3A_437 : memref<128xi32, #tpu.memory_space<vmem>>) offsets(%dma_start3A_440 : memref<128xi32, #tpu.memory_space<vmem>>) semaphore(%arg18 : memref<!tpu.dma_semaphore, #tpu.memory_space<semaphore_mem>>)
    %dma_start3A_443 = arith.constant 1 : i32
    %dma_start3A_444 = arith.constant 1 : i32
    %dma_start3A_445 = arith.constant 0 : i32
    %dma_start3A_446 = tpu.memref_slice %arg13[%dma_start3A_444, %dma_start3A_445] : memref<6x128xi32, #tpu.memory_space<vmem>> -> memref<1x128xi32, #tpu.memory_space<vmem>>
    %dma_start3A_447 = tpu.memref_squeeze %dma_start3A_446 : memref<1x128xi32, #tpu.memory_space<vmem>> -> memref<128xi32, #tpu.memory_space<vmem>>
    %dma_start3A_448 = arith.constant 0 : i32
    %dma_start3A_449 = tpu.memref_slice %arg11[%dma_start3A_443, %dma_start3A_448] : memref<6x128xi32, #tpu.memory_space<vmem>> -> memref<1x128xi32, #tpu.memory_space<vmem>>
    %dma_start3A_450 = tpu.memref_squeeze %dma_start3A_449 : memref<1x128xi32, #tpu.memory_space<vmem>> -> memref<128xi32, #tpu.memory_space<vmem>>
    %dma_start3A_451 = arith.constant 0 : i32
    %dma_start3A_452 = tpu.memref_slice %arg17[%dma_start3A_451] : memref<524320xi32, #tpu.memory_space<vmem_shared>> -> memref<524320xi32, #tpu.memory_space<vmem_shared>>
    tpu.enqueue_indirect_dma source(%dma_start3A_452 : memref<524320xi32, #tpu.memory_space<vmem_shared>>) target(%dma_start3A_447 : memref<128xi32, #tpu.memory_space<vmem>>) offsets(%dma_start3A_450 : memref<128xi32, #tpu.memory_space<vmem>>) semaphore(%arg18 : memref<!tpu.dma_semaphore, #tpu.memory_space<semaphore_mem>>)
    %dma_start3A_453 = arith.constant 2 : i32
    %dma_start3A_454 = arith.constant 2 : i32
    %dma_start3A_455 = arith.constant 0 : i32
    %dma_start3A_456 = tpu.memref_slice %arg13[%dma_start3A_454, %dma_start3A_455] : memref<6x128xi32, #tpu.memory_space<vmem>> -> memref<1x128xi32, #tpu.memory_space<vmem>>
    %dma_start3A_457 = tpu.memref_squeeze %dma_start3A_456 : memref<1x128xi32, #tpu.memory_space<vmem>> -> memref<128xi32, #tpu.memory_space<vmem>>
    %dma_start3A_458 = arith.constant 0 : i32
    %dma_start3A_459 = tpu.memref_slice %arg11[%dma_start3A_453, %dma_start3A_458] : memref<6x128xi32, #tpu.memory_space<vmem>> -> memref<1x128xi32, #tpu.memory_space<vmem>>
    %dma_start3A_460 = tpu.memref_squeeze %dma_start3A_459 : memref<1x128xi32, #tpu.memory_space<vmem>> -> memref<128xi32, #tpu.memory_space<vmem>>
    %dma_start3A_461 = arith.constant 0 : i32
    %dma_start3A_462 = tpu.memref_slice %arg17[%dma_start3A_461] : memref<524320xi32, #tpu.memory_space<vmem_shared>> -> memref<524320xi32, #tpu.memory_space<vmem_shared>>
    tpu.enqueue_indirect_dma source(%dma_start3A_462 : memref<524320xi32, #tpu.memory_space<vmem_shared>>) target(%dma_start3A_457 : memref<128xi32, #tpu.memory_space<vmem>>) offsets(%dma_start3A_460 : memref<128xi32, #tpu.memory_space<vmem>>) semaphore(%arg18 : memref<!tpu.dma_semaphore, #tpu.memory_space<semaphore_mem>>)
    %dma_start3A_463 = arith.constant 3 : i32
    %dma_start3A_464 = arith.constant 3 : i32
    %dma_start3A_465 = arith.constant 0 : i32
    %dma_start3A_466 = tpu.memref_slice %arg13[%dma_start3A_464, %dma_start3A_465] : memref<6x128xi32, #tpu.memory_space<vmem>> -> memref<1x128xi32, #tpu.memory_space<vmem>>
    %dma_start3A_467 = tpu.memref_squeeze %dma_start3A_466 : memref<1x128xi32, #tpu.memory_space<vmem>> -> memref<128xi32, #tpu.memory_space<vmem>>
    %dma_start3A_468 = arith.constant 0 : i32
    %dma_start3A_469 = tpu.memref_slice %arg11[%dma_start3A_463, %dma_start3A_468] : memref<6x128xi32, #tpu.memory_space<vmem>> -> memref<1x128xi32, #tpu.memory_space<vmem>>
    %dma_start3A_470 = tpu.memref_squeeze %dma_start3A_469 : memref<1x128xi32, #tpu.memory_space<vmem>> -> memref<128xi32, #tpu.memory_space<vmem>>
    %dma_start3A_471 = arith.constant 0 : i32
    %dma_start3A_472 = tpu.memref_slice %arg17[%dma_start3A_471] : memref<524320xi32, #tpu.memory_space<vmem_shared>> -> memref<524320xi32, #tpu.memory_space<vmem_shared>>
    tpu.enqueue_indirect_dma source(%dma_start3A_472 : memref<524320xi32, #tpu.memory_space<vmem_shared>>) target(%dma_start3A_467 : memref<128xi32, #tpu.memory_space<vmem>>) offsets(%dma_start3A_470 : memref<128xi32, #tpu.memory_space<vmem>>) semaphore(%arg18 : memref<!tpu.dma_semaphore, #tpu.memory_space<semaphore_mem>>)
    %dma_start3A_473 = arith.constant 4 : i32
    %dma_start3A_474 = arith.constant 4 : i32
    %dma_start3A_475 = arith.constant 0 : i32
    %dma_start3A_476 = tpu.memref_slice %arg13[%dma_start3A_474, %dma_start3A_475] : memref<6x128xi32, #tpu.memory_space<vmem>> -> memref<1x128xi32, #tpu.memory_space<vmem>>
    %dma_start3A_477 = tpu.memref_squeeze %dma_start3A_476 : memref<1x128xi32, #tpu.memory_space<vmem>> -> memref<128xi32, #tpu.memory_space<vmem>>
    %dma_start3A_478 = arith.constant 0 : i32
    %dma_start3A_479 = tpu.memref_slice %arg11[%dma_start3A_473, %dma_start3A_478] : memref<6x128xi32, #tpu.memory_space<vmem>> -> memref<1x128xi32, #tpu.memory_space<vmem>>
    %dma_start3A_480 = tpu.memref_squeeze %dma_start3A_479 : memref<1x128xi32, #tpu.memory_space<vmem>> -> memref<128xi32, #tpu.memory_space<vmem>>
    %dma_start3A_481 = arith.constant 0 : i32
    %dma_start3A_482 = tpu.memref_slice %arg17[%dma_start3A_481] : memref<524320xi32, #tpu.memory_space<vmem_shared>> -> memref<524320xi32, #tpu.memory_space<vmem_shared>>
    tpu.enqueue_indirect_dma source(%dma_start3A_482 : memref<524320xi32, #tpu.memory_space<vmem_shared>>) target(%dma_start3A_477 : memref<128xi32, #tpu.memory_space<vmem>>) offsets(%dma_start3A_480 : memref<128xi32, #tpu.memory_space<vmem>>) semaphore(%arg18 : memref<!tpu.dma_semaphore, #tpu.memory_space<semaphore_mem>>)
    %dma_start3A_483 = arith.constant 5 : i32
    %dma_start3A_484 = arith.constant 5 : i32
    %dma_start3A_485 = arith.constant 0 : i32
    %dma_start3A_486 = tpu.memref_slice %arg13[%dma_start3A_484, %dma_start3A_485] : memref<6x128xi32, #tpu.memory_space<vmem>> -> memref<1x128xi32, #tpu.memory_space<vmem>>
    %dma_start3A_487 = tpu.memref_squeeze %dma_start3A_486 : memref<1x128xi32, #tpu.memory_space<vmem>> -> memref<128xi32, #tpu.memory_space<vmem>>
    %dma_start3A_488 = arith.constant 0 : i32
    %dma_start3A_489 = tpu.memref_slice %arg11[%dma_start3A_483, %dma_start3A_488] : memref<6x128xi32, #tpu.memory_space<vmem>> -> memref<1x128xi32, #tpu.memory_space<vmem>>
    %dma_start3A_490 = tpu.memref_squeeze %dma_start3A_489 : memref<1x128xi32, #tpu.memory_space<vmem>> -> memref<128xi32, #tpu.memory_space<vmem>>
    %dma_start3A_491 = arith.constant 0 : i32
    %dma_start3A_492 = tpu.memref_slice %arg17[%dma_start3A_491] : memref<524320xi32, #tpu.memory_space<vmem_shared>> -> memref<524320xi32, #tpu.memory_space<vmem_shared>>
    tpu.enqueue_indirect_dma source(%dma_start3A_492 : memref<524320xi32, #tpu.memory_space<vmem_shared>>) target(%dma_start3A_487 : memref<128xi32, #tpu.memory_space<vmem>>) offsets(%dma_start3A_490 : memref<128xi32, #tpu.memory_space<vmem>>) semaphore(%arg18 : memref<!tpu.dma_semaphore, #tpu.memory_space<semaphore_mem>>)
    %dma_wait3A_493 = arith.constant 0 : i32
    %dma_wait3A_494 = arith.constant 0 : i32
    %dma_wait3A_495 = arith.constant 0 : i32
    %dma_wait3A_496 = tpu.memref_slice %arg13[%dma_wait3A_494, %dma_wait3A_495] : memref<6x128xi32, #tpu.memory_space<vmem>> -> memref<1x128xi32, #tpu.memory_space<vmem>>
    %dma_wait3A_497 = tpu.memref_squeeze %dma_wait3A_496 : memref<1x128xi32, #tpu.memory_space<vmem>> -> memref<128xi32, #tpu.memory_space<vmem>>
    %dma_wait3A_498 = arith.constant 0 : i32
    %dma_wait3A_499 = tpu.memref_slice %arg11[%dma_wait3A_493, %dma_wait3A_498] : memref<6x128xi32, #tpu.memory_space<vmem>> -> memref<1x128xi32, #tpu.memory_space<vmem>>
    %dma_wait3A_500 = tpu.memref_squeeze %dma_wait3A_499 : memref<1x128xi32, #tpu.memory_space<vmem>> -> memref<128xi32, #tpu.memory_space<vmem>>
    %dma_wait3A_501 = arith.constant 0 : i32
    %dma_wait3A_502 = tpu.memref_slice %arg17[%dma_wait3A_501] : memref<524320xi32, #tpu.memory_space<vmem_shared>> -> memref<524320xi32, #tpu.memory_space<vmem_shared>>
    tpu.wait_indirect_dma semaphore(%arg18 : memref<!tpu.dma_semaphore, #tpu.memory_space<semaphore_mem>>) src(%dma_wait3A_502 : memref<524320xi32, #tpu.memory_space<vmem_shared>>) dst(%dma_wait3A_497 : memref<128xi32, #tpu.memory_space<vmem>>)
    %dma_wait3A_503 = arith.constant 1 : i32
    %dma_wait3A_504 = arith.constant 1 : i32
    %dma_wait3A_505 = arith.constant 0 : i32
    %dma_wait3A_506 = tpu.memref_slice %arg13[%dma_wait3A_504, %dma_wait3A_505] : memref<6x128xi32, #tpu.memory_space<vmem>> -> memref<1x128xi32, #tpu.memory_space<vmem>>
    %dma_wait3A_507 = tpu.memref_squeeze %dma_wait3A_506 : memref<1x128xi32, #tpu.memory_space<vmem>> -> memref<128xi32, #tpu.memory_space<vmem>>
    %dma_wait3A_508 = arith.constant 0 : i32
    %dma_wait3A_509 = tpu.memref_slice %arg11[%dma_wait3A_503, %dma_wait3A_508] : memref<6x128xi32, #tpu.memory_space<vmem>> -> memref<1x128xi32, #tpu.memory_space<vmem>>
    %dma_wait3A_510 = tpu.memref_squeeze %dma_wait3A_509 : memref<1x128xi32, #tpu.memory_space<vmem>> -> memref<128xi32, #tpu.memory_space<vmem>>
    %dma_wait3A_511 = arith.constant 0 : i32
    %dma_wait3A_512 = tpu.memref_slice %arg17[%dma_wait3A_511] : memref<524320xi32, #tpu.memory_space<vmem_shared>> -> memref<524320xi32, #tpu.memory_space<vmem_shared>>
    tpu.wait_indirect_dma semaphore(%arg18 : memref<!tpu.dma_semaphore, #tpu.memory_space<semaphore_mem>>) src(%dma_wait3A_512 : memref<524320xi32, #tpu.memory_space<vmem_shared>>) dst(%dma_wait3A_507 : memref<128xi32, #tpu.memory_space<vmem>>)
    %dma_wait3A_513 = arith.constant 2 : i32
    %dma_wait3A_514 = arith.constant 2 : i32
    %dma_wait3A_515 = arith.constant 0 : i32
    %dma_wait3A_516 = tpu.memref_slice %arg13[%dma_wait3A_514, %dma_wait3A_515] : memref<6x128xi32, #tpu.memory_space<vmem>> -> memref<1x128xi32, #tpu.memory_space<vmem>>
    %dma_wait3A_517 = tpu.memref_squeeze %dma_wait3A_516 : memref<1x128xi32, #tpu.memory_space<vmem>> -> memref<128xi32, #tpu.memory_space<vmem>>
    %dma_wait3A_518 = arith.constant 0 : i32
    %dma_wait3A_519 = tpu.memref_slice %arg11[%dma_wait3A_513, %dma_wait3A_518] : memref<6x128xi32, #tpu.memory_space<vmem>> -> memref<1x128xi32, #tpu.memory_space<vmem>>
    %dma_wait3A_520 = tpu.memref_squeeze %dma_wait3A_519 : memref<1x128xi32, #tpu.memory_space<vmem>> -> memref<128xi32, #tpu.memory_space<vmem>>
    %dma_wait3A_521 = arith.constant 0 : i32
    %dma_wait3A_522 = tpu.memref_slice %arg17[%dma_wait3A_521] : memref<524320xi32, #tpu.memory_space<vmem_shared>> -> memref<524320xi32, #tpu.memory_space<vmem_shared>>
    tpu.wait_indirect_dma semaphore(%arg18 : memref<!tpu.dma_semaphore, #tpu.memory_space<semaphore_mem>>) src(%dma_wait3A_522 : memref<524320xi32, #tpu.memory_space<vmem_shared>>) dst(%dma_wait3A_517 : memref<128xi32, #tpu.memory_space<vmem>>)
    %dma_wait3A_523 = arith.constant 3 : i32
    %dma_wait3A_524 = arith.constant 3 : i32
    %dma_wait3A_525 = arith.constant 0 : i32
    %dma_wait3A_526 = tpu.memref_slice %arg13[%dma_wait3A_524, %dma_wait3A_525] : memref<6x128xi32, #tpu.memory_space<vmem>> -> memref<1x128xi32, #tpu.memory_space<vmem>>
    %dma_wait3A_527 = tpu.memref_squeeze %dma_wait3A_526 : memref<1x128xi32, #tpu.memory_space<vmem>> -> memref<128xi32, #tpu.memory_space<vmem>>
    %dma_wait3A_528 = arith.constant 0 : i32
    %dma_wait3A_529 = tpu.memref_slice %arg11[%dma_wait3A_523, %dma_wait3A_528] : memref<6x128xi32, #tpu.memory_space<vmem>> -> memref<1x128xi32, #tpu.memory_space<vmem>>
    %dma_wait3A_530 = tpu.memref_squeeze %dma_wait3A_529 : memref<1x128xi32, #tpu.memory_space<vmem>> -> memref<128xi32, #tpu.memory_space<vmem>>
    %dma_wait3A_531 = arith.constant 0 : i32
    %dma_wait3A_532 = tpu.memref_slice %arg17[%dma_wait3A_531] : memref<524320xi32, #tpu.memory_space<vmem_shared>> -> memref<524320xi32, #tpu.memory_space<vmem_shared>>
    tpu.wait_indirect_dma semaphore(%arg18 : memref<!tpu.dma_semaphore, #tpu.memory_space<semaphore_mem>>) src(%dma_wait3A_532 : memref<524320xi32, #tpu.memory_space<vmem_shared>>) dst(%dma_wait3A_527 : memref<128xi32, #tpu.memory_space<vmem>>)
    %dma_wait3A_533 = arith.constant 4 : i32
    %dma_wait3A_534 = arith.constant 4 : i32
    %dma_wait3A_535 = arith.constant 0 : i32
    %dma_wait3A_536 = tpu.memref_slice %arg13[%dma_wait3A_534, %dma_wait3A_535] : memref<6x128xi32, #tpu.memory_space<vmem>> -> memref<1x128xi32, #tpu.memory_space<vmem>>
    %dma_wait3A_537 = tpu.memref_squeeze %dma_wait3A_536 : memref<1x128xi32, #tpu.memory_space<vmem>> -> memref<128xi32, #tpu.memory_space<vmem>>
    %dma_wait3A_538 = arith.constant 0 : i32
    %dma_wait3A_539 = tpu.memref_slice %arg11[%dma_wait3A_533, %dma_wait3A_538] : memref<6x128xi32, #tpu.memory_space<vmem>> -> memref<1x128xi32, #tpu.memory_space<vmem>>
    %dma_wait3A_540 = tpu.memref_squeeze %dma_wait3A_539 : memref<1x128xi32, #tpu.memory_space<vmem>> -> memref<128xi32, #tpu.memory_space<vmem>>
    %dma_wait3A_541 = arith.constant 0 : i32
    %dma_wait3A_542 = tpu.memref_slice %arg17[%dma_wait3A_541] : memref<524320xi32, #tpu.memory_space<vmem_shared>> -> memref<524320xi32, #tpu.memory_space<vmem_shared>>
    tpu.wait_indirect_dma semaphore(%arg18 : memref<!tpu.dma_semaphore, #tpu.memory_space<semaphore_mem>>) src(%dma_wait3A_542 : memref<524320xi32, #tpu.memory_space<vmem_shared>>) dst(%dma_wait3A_537 : memref<128xi32, #tpu.memory_space<vmem>>)
    %dma_wait3A_543 = arith.constant 5 : i32
    %dma_wait3A_544 = arith.constant 5 : i32
    %dma_wait3A_545 = arith.constant 0 : i32
    %dma_wait3A_546 = tpu.memref_slice %arg13[%dma_wait3A_544, %dma_wait3A_545] : memref<6x128xi32, #tpu.memory_space<vmem>> -> memref<1x128xi32, #tpu.memory_space<vmem>>
    %dma_wait3A_547 = tpu.memref_squeeze %dma_wait3A_546 : memref<1x128xi32, #tpu.memory_space<vmem>> -> memref<128xi32, #tpu.memory_space<vmem>>
    %dma_wait3A_548 = arith.constant 0 : i32
    %dma_wait3A_549 = tpu.memref_slice %arg11[%dma_wait3A_543, %dma_wait3A_548] : memref<6x128xi32, #tpu.memory_space<vmem>> -> memref<1x128xi32, #tpu.memory_space<vmem>>
    %dma_wait3A_550 = tpu.memref_squeeze %dma_wait3A_549 : memref<1x128xi32, #tpu.memory_space<vmem>> -> memref<128xi32, #tpu.memory_space<vmem>>
    %dma_wait3A_551 = arith.constant 0 : i32
    %dma_wait3A_552 = tpu.memref_slice %arg17[%dma_wait3A_551] : memref<524320xi32, #tpu.memory_space<vmem_shared>> -> memref<524320xi32, #tpu.memory_space<vmem_shared>>
    tpu.wait_indirect_dma semaphore(%arg18 : memref<!tpu.dma_semaphore, #tpu.memory_space<semaphore_mem>>) src(%dma_wait3A_552 : memref<524320xi32, #tpu.memory_space<vmem_shared>>) dst(%dma_wait3A_547 : memref<128xi32, #tpu.memory_space<vmem>>)
    %dma_wait3A_553 = arith.constant 0 : i32
    %dma_wait3A_554 = arith.constant 0 : i32
    %dma_wait3A_555 = arith.constant 0 : i32
    %dma_wait3A_556 = tpu.memref_slice %arg15[%dma_wait3A_554, %dma_wait3A_555] : memref<6x128xf32, #tpu.memory_space<vmem>> -> memref<1x128xf32, #tpu.memory_space<vmem>>
    %dma_wait3A_557 = tpu.memref_squeeze %dma_wait3A_556 : memref<1x128xf32, #tpu.memory_space<vmem>> -> memref<128xf32, #tpu.memory_space<vmem>>
    %dma_wait3A_558 = arith.constant 0 : i32
    %dma_wait3A_559 = tpu.memref_slice %arg14[%dma_wait3A_553, %dma_wait3A_558] : memref<6x128xi32, #tpu.memory_space<vmem>> -> memref<1x128xi32, #tpu.memory_space<vmem>>
    %dma_wait3A_560 = tpu.memref_squeeze %dma_wait3A_559 : memref<1x128xi32, #tpu.memory_space<vmem>> -> memref<128xi32, #tpu.memory_space<vmem>>
    %dma_wait3A_561 = arith.constant 0 : i32
    %dma_wait3A_562 = tpu.memref_slice %arg5[%dma_wait3A_561] : memref<1048576xf32, #tpu.memory_space<hbm>> -> memref<1048576xf32, #tpu.memory_space<hbm>>
    tpu.wait_indirect_dma semaphore(%arg19 : memref<!tpu.dma_semaphore, #tpu.memory_space<semaphore_mem>>) src(%dma_wait3A_562 : memref<1048576xf32, #tpu.memory_space<hbm>>) dst(%dma_wait3A_557 : memref<128xf32, #tpu.memory_space<vmem>>)
    %dma_wait3A_563 = arith.constant 1 : i32
    %dma_wait3A_564 = arith.constant 1 : i32
    %dma_wait3A_565 = arith.constant 0 : i32
    %dma_wait3A_566 = tpu.memref_slice %arg15[%dma_wait3A_564, %dma_wait3A_565] : memref<6x128xf32, #tpu.memory_space<vmem>> -> memref<1x128xf32, #tpu.memory_space<vmem>>
    %dma_wait3A_567 = tpu.memref_squeeze %dma_wait3A_566 : memref<1x128xf32, #tpu.memory_space<vmem>> -> memref<128xf32, #tpu.memory_space<vmem>>
    %dma_wait3A_568 = arith.constant 0 : i32
    %dma_wait3A_569 = tpu.memref_slice %arg14[%dma_wait3A_563, %dma_wait3A_568] : memref<6x128xi32, #tpu.memory_space<vmem>> -> memref<1x128xi32, #tpu.memory_space<vmem>>
    %dma_wait3A_570 = tpu.memref_squeeze %dma_wait3A_569 : memref<1x128xi32, #tpu.memory_space<vmem>> -> memref<128xi32, #tpu.memory_space<vmem>>
    %dma_wait3A_571 = arith.constant 0 : i32
    %dma_wait3A_572 = tpu.memref_slice %arg5[%dma_wait3A_571] : memref<1048576xf32, #tpu.memory_space<hbm>> -> memref<1048576xf32, #tpu.memory_space<hbm>>
    tpu.wait_indirect_dma semaphore(%arg19 : memref<!tpu.dma_semaphore, #tpu.memory_space<semaphore_mem>>) src(%dma_wait3A_572 : memref<1048576xf32, #tpu.memory_space<hbm>>) dst(%dma_wait3A_567 : memref<128xf32, #tpu.memory_space<vmem>>)
    %dma_wait3A_573 = arith.constant 2 : i32
    %dma_wait3A_574 = arith.constant 2 : i32
    %dma_wait3A_575 = arith.constant 0 : i32
    %dma_wait3A_576 = tpu.memref_slice %arg15[%dma_wait3A_574, %dma_wait3A_575] : memref<6x128xf32, #tpu.memory_space<vmem>> -> memref<1x128xf32, #tpu.memory_space<vmem>>
    %dma_wait3A_577 = tpu.memref_squeeze %dma_wait3A_576 : memref<1x128xf32, #tpu.memory_space<vmem>> -> memref<128xf32, #tpu.memory_space<vmem>>
    %dma_wait3A_578 = arith.constant 0 : i32
    %dma_wait3A_579 = tpu.memref_slice %arg14[%dma_wait3A_573, %dma_wait3A_578] : memref<6x128xi32, #tpu.memory_space<vmem>> -> memref<1x128xi32, #tpu.memory_space<vmem>>
    %dma_wait3A_580 = tpu.memref_squeeze %dma_wait3A_579 : memref<1x128xi32, #tpu.memory_space<vmem>> -> memref<128xi32, #tpu.memory_space<vmem>>
    %dma_wait3A_581 = arith.constant 0 : i32
    %dma_wait3A_582 = tpu.memref_slice %arg5[%dma_wait3A_581] : memref<1048576xf32, #tpu.memory_space<hbm>> -> memref<1048576xf32, #tpu.memory_space<hbm>>
    tpu.wait_indirect_dma semaphore(%arg19 : memref<!tpu.dma_semaphore, #tpu.memory_space<semaphore_mem>>) src(%dma_wait3A_582 : memref<1048576xf32, #tpu.memory_space<hbm>>) dst(%dma_wait3A_577 : memref<128xf32, #tpu.memory_space<vmem>>)
    %dma_wait3A_583 = arith.constant 3 : i32
    %dma_wait3A_584 = arith.constant 3 : i32
    %dma_wait3A_585 = arith.constant 0 : i32
    %dma_wait3A_586 = tpu.memref_slice %arg15[%dma_wait3A_584, %dma_wait3A_585] : memref<6x128xf32, #tpu.memory_space<vmem>> -> memref<1x128xf32, #tpu.memory_space<vmem>>
    %dma_wait3A_587 = tpu.memref_squeeze %dma_wait3A_586 : memref<1x128xf32, #tpu.memory_space<vmem>> -> memref<128xf32, #tpu.memory_space<vmem>>
    %dma_wait3A_588 = arith.constant 0 : i32
    %dma_wait3A_589 = tpu.memref_slice %arg14[%dma_wait3A_583, %dma_wait3A_588] : memref<6x128xi32, #tpu.memory_space<vmem>> -> memref<1x128xi32, #tpu.memory_space<vmem>>
    %dma_wait3A_590 = tpu.memref_squeeze %dma_wait3A_589 : memref<1x128xi32, #tpu.memory_space<vmem>> -> memref<128xi32, #tpu.memory_space<vmem>>
    %dma_wait3A_591 = arith.constant 0 : i32
    %dma_wait3A_592 = tpu.memref_slice %arg5[%dma_wait3A_591] : memref<1048576xf32, #tpu.memory_space<hbm>> -> memref<1048576xf32, #tpu.memory_space<hbm>>
    tpu.wait_indirect_dma semaphore(%arg19 : memref<!tpu.dma_semaphore, #tpu.memory_space<semaphore_mem>>) src(%dma_wait3A_592 : memref<1048576xf32, #tpu.memory_space<hbm>>) dst(%dma_wait3A_587 : memref<128xf32, #tpu.memory_space<vmem>>)
    %dma_wait3A_593 = arith.constant 4 : i32
    %dma_wait3A_594 = arith.constant 4 : i32
    %dma_wait3A_595 = arith.constant 0 : i32
    %dma_wait3A_596 = tpu.memref_slice %arg15[%dma_wait3A_594, %dma_wait3A_595] : memref<6x128xf32, #tpu.memory_space<vmem>> -> memref<1x128xf32, #tpu.memory_space<vmem>>
    %dma_wait3A_597 = tpu.memref_squeeze %dma_wait3A_596 : memref<1x128xf32, #tpu.memory_space<vmem>> -> memref<128xf32, #tpu.memory_space<vmem>>
    %dma_wait3A_598 = arith.constant 0 : i32
    %dma_wait3A_599 = tpu.memref_slice %arg14[%dma_wait3A_593, %dma_wait3A_598] : memref<6x128xi32, #tpu.memory_space<vmem>> -> memref<1x128xi32, #tpu.memory_space<vmem>>
    %dma_wait3A_600 = tpu.memref_squeeze %dma_wait3A_599 : memref<1x128xi32, #tpu.memory_space<vmem>> -> memref<128xi32, #tpu.memory_space<vmem>>
    %dma_wait3A_601 = arith.constant 0 : i32
    %dma_wait3A_602 = tpu.memref_slice %arg5[%dma_wait3A_601] : memref<1048576xf32, #tpu.memory_space<hbm>> -> memref<1048576xf32, #tpu.memory_space<hbm>>
    tpu.wait_indirect_dma semaphore(%arg19 : memref<!tpu.dma_semaphore, #tpu.memory_space<semaphore_mem>>) src(%dma_wait3A_602 : memref<1048576xf32, #tpu.memory_space<hbm>>) dst(%dma_wait3A_597 : memref<128xf32, #tpu.memory_space<vmem>>)
    %dma_wait3A_603 = arith.constant 5 : i32
    %dma_wait3A_604 = arith.constant 5 : i32
    %dma_wait3A_605 = arith.constant 0 : i32
    %dma_wait3A_606 = tpu.memref_slice %arg15[%dma_wait3A_604, %dma_wait3A_605] : memref<6x128xf32, #tpu.memory_space<vmem>> -> memref<1x128xf32, #tpu.memory_space<vmem>>
    %dma_wait3A_607 = tpu.memref_squeeze %dma_wait3A_606 : memref<1x128xf32, #tpu.memory_space<vmem>> -> memref<128xf32, #tpu.memory_space<vmem>>
    %dma_wait3A_608 = arith.constant 0 : i32
    %dma_wait3A_609 = tpu.memref_slice %arg14[%dma_wait3A_603, %dma_wait3A_608] : memref<6x128xi32, #tpu.memory_space<vmem>> -> memref<1x128xi32, #tpu.memory_space<vmem>>
    %dma_wait3A_610 = tpu.memref_squeeze %dma_wait3A_609 : memref<1x128xi32, #tpu.memory_space<vmem>> -> memref<128xi32, #tpu.memory_space<vmem>>
    %dma_wait3A_611 = arith.constant 0 : i32
    %dma_wait3A_612 = tpu.memref_slice %arg5[%dma_wait3A_611] : memref<1048576xf32, #tpu.memory_space<hbm>> -> memref<1048576xf32, #tpu.memory_space<hbm>>
    tpu.wait_indirect_dma semaphore(%arg19 : memref<!tpu.dma_semaphore, #tpu.memory_space<semaphore_mem>>) src(%dma_wait3A_612 : memref<1048576xf32, #tpu.memory_space<hbm>>) dst(%dma_wait3A_607 : memref<128xf32, #tpu.memory_space<vmem>>)
    %broadcast_in_dim3A = arith.constant 0.000000e+00 : f32
    "tpu.trace_stop"() : () -> ()
    "tpu.trace_start"() <{level = 10 : i32, message = "p6_acc"}> : () -> ()
    %broadcast_in_dim3A_613 = vector.broadcast %broadcast_in_dim3A : f32 to vector<16xf32>
    %scan3A_614 = arith.constant 0 : i32
    %scan3A_615 = arith.constant 48 : i32
    %scan3A_616 = arith.addi %scan3A_614, %scan3A_615 : i32
    %scan3A_617 = arith.constant 1 : i32
    %scan3A_618 = scf.for %scan3A_623 = %scan3A_614 to %scan3A_616 step %scan3A_617 iter_args(%scan3A_624 = %broadcast_in_dim3A_613) -> (vector<16xf32>)  : i32 {
      %shift_right_arithmetic3A = arith.constant 3 : i32
      %shift_right_arithmetic3A_625 = arith.shrsi %scan3A_623, %shift_right_arithmetic3A : i32
      %and3A_626 = arith.constant 7 : i32
      %and3A_627 = arith.andi %scan3A_623, %and3A_626 : i32
      %mul3A_628 = arith.constant 16 : i32
      %mul3A_629 = arith.muli %and3A_627, %mul3A_628 : i32
      %get3A = arith.index_cast %shift_right_arithmetic3A_625 : i32 to index
      %get3A_630 = arith.index_cast %mul3A_629 : i32 to index
      %get3A_631 = tpu.vector_load %arg13[%get3A, %get3A_630] {strides = array<i32>} : memref<6x128xi32, #tpu.memory_space<vmem>>, vector<1x16xi32>,
      %get3A_632 = vector.shape_cast %get3A_631 : vector<1x16xi32> to vector<16xi32>
      %get3A_633 = arith.index_cast %shift_right_arithmetic3A_625 : i32 to index
      %get3A_634 = arith.index_cast %mul3A_629 : i32 to index
      %get3A_635 = tpu.vector_load %arg12[%get3A_633, %get3A_634] {strides = array<i32>} : memref<6x128xi32, #tpu.memory_space<vmem>>, vector<1x16xi32>,
      %get3A_636 = vector.shape_cast %get3A_635 : vector<1x16xi32> to vector<16xi32>
      %eq3A_637 = arith.cmpi eq, %get3A_632, %get3A_636 : vector<16xi32>
      %get3A_638 = arith.index_cast %shift_right_arithmetic3A_625 : i32 to index
      %get3A_639 = arith.index_cast %mul3A_629 : i32 to index
      %get3A_640 = tpu.vector_load %arg10[%get3A_638, %get3A_639] {strides = array<i32>} : memref<6x128xi32, #tpu.memory_space<vmem>>, vector<1x16xi32>,
      %get3A_641 = vector.shape_cast %get3A_640 : vector<1x16xi32> to vector<16xi32>
      %ge3A = arith.constant 0 : i32
      %ge3A_642 = vector.broadcast %ge3A : i32 to vector<16xi32>
      %ge3A_643 = arith.cmpi sge, %get3A_641, %ge3A_642 : vector<16xi32>
      %and3A_644 = arith.andi %eq3A_637, %ge3A_643 : vector<16xi1>
      %get3A_645 = arith.index_cast %shift_right_arithmetic3A_625 : i32 to index
      %get3A_646 = arith.index_cast %mul3A_629 : i32 to index
      %get3A_647 = tpu.vector_load %arg15[%get3A_645, %get3A_646] {strides = array<i32>} : memref<6x128xf32, #tpu.memory_space<vmem>>, vector<1x16xf32>,
      %get3A_648 = vector.shape_cast %get3A_647 : vector<1x16xf32> to vector<16xf32>
      %jit3A_649 = arith.constant 0.000000e+00 : f32
      %broadcast_in_dim3A_650 = vector.broadcast %jit3A_649 : f32 to vector<16xf32>
      %select_n3A_651 = arith.select %and3A_644, %get3A_648, %broadcast_in_dim3A_650 : vector<16xi1>, vector<16xf32>
      %add3A_652 = arith.addf %scan3A_624, %select_n3A_651 : vector<16xf32>
      scf.yield %add3A_652 : vector<16xf32>
    }
    %scan3A_619 = arith.constant 48 : i32
    %swap3A = arith.constant 0 : index
    %swap3A_620 = tpu.vector_load %arg16[%swap3A] {strides = array<i32>} : memref<16xf32, #tpu.memory_space<vmem>>, vector<16xf32>,
    %swap3A_621 = vector.shape_cast %swap3A_620 : vector<16xf32> to vector<16xf32>
    %swap3A_622 = vector.shape_cast %scan3A_618 : vector<16xf32> to vector<16xf32>
    tpu.vector_store %arg16[%swap3A], %swap3A_622 {strides = array<i32>} : memref<16xf32, #tpu.memory_space<vmem>>, vector<16xf32>,
    "tpu.trace_stop"() : () -> ()
    "tpu.trace_start"() <{level = 10 : i32, message = "p7_out"}> : () -> ()
    "tpu.region"() ({
      %run_scoped3A = tpu.sem_alloc : memref<!tpu.dma_semaphore, #tpu.memory_space<semaphore_mem>>
      %dma_start3A_623 = arith.constant 0 : i32
      %dma_start3A_624 = tpu.memref_slice %arg6[%add3A_33, %dma_start3A_623] : memref<32x16xf32, #tpu.memory_space<hbm>> -> memref<1x16xf32, #tpu.memory_space<hbm>>
      %dma_start3A_625 = tpu.memref_squeeze %dma_start3A_624 : memref<1x16xf32, #tpu.memory_space<hbm>> -> memref<16xf32, #tpu.memory_space<hbm>>
      %dma_start3A_626 = arith.constant 0 : i32
      %dma_start3A_627 = tpu.memref_slice %arg6[%add3A_33, %dma_start3A_626] : memref<32x16xf32, #tpu.memory_space<hbm>> -> memref<1x16xf32, #tpu.memory_space<hbm>>
      %dma_start3A_628 = tpu.memref_squeeze %dma_start3A_627 : memref<1x16xf32, #tpu.memory_space<hbm>> -> memref<16xf32, #tpu.memory_space<hbm>>
      tpu.enqueue_dma source(%arg16 : memref<16xf32, #tpu.memory_space<vmem>>) target(%dma_start3A_628 : memref<16xf32, #tpu.memory_space<hbm>>) target_semaphore(%run_scoped3A : memref<!tpu.dma_semaphore, #tpu.memory_space<semaphore_mem>>)
      %dma_wait3A_629 = arith.constant 0 : i32
      %dma_wait3A_630 = tpu.memref_slice %arg6[%add3A_33, %dma_wait3A_629] : memref<32x16xf32, #tpu.memory_space<hbm>> -> memref<1x16xf32, #tpu.memory_space<hbm>>
      %dma_wait3A_631 = tpu.memref_squeeze %dma_wait3A_630 : memref<1x16xf32, #tpu.memory_space<hbm>> -> memref<16xf32, #tpu.memory_space<hbm>>
      %dma_wait3A_632 = arith.constant 0 : i32
      %dma_wait3A_633 = tpu.memref_slice %arg6[%add3A_33, %dma_wait3A_632] : memref<32x16xf32, #tpu.memory_space<hbm>> -> memref<1x16xf32, #tpu.memory_space<hbm>>
      %dma_wait3A_634 = tpu.memref_squeeze %dma_wait3A_633 : memref<1x16xf32, #tpu.memory_space<hbm>> -> memref<16xf32, #tpu.memory_space<hbm>>
      tpu.wait_dma2 semaphore(%run_scoped3A : memref<!tpu.dma_semaphore, #tpu.memory_space<semaphore_mem>>) src(%arg16 : memref<16xf32, #tpu.memory_space<vmem>>) dst(%dma_wait3A_634 : memref<16xf32, #tpu.memory_space<hbm>>)
      tpu.yield
    }) : () -> ()
    "tpu.trace_stop"() : () -> ()
    return
  }
}

module attributes {stable_mosaic.version = 14 : i64} {
  func.func @_dense_body(%arg0: i32, %arg1: memref<8x32768xf32, #tpu.memory_space<vmem>>, %arg2: memref<1x1xf32, #tpu.memory_space<smem>>) attributes {dimension_semantics = [#tpu.dimension_semantics<arbitrary>], iteration_bounds = array<i64: 4>, scalar_prefetch = 0 : i64, scratch_operands = 0 : i64, tpu.core_type = #tpu.core_type<tc>, window_params = [{transform_indices = @transform_0, window_bounds = array<i64: 8, 32768>}, {transform_indices = @transform_1, window_bounds = array<i64: 1, 1>}]} {
    %get3A = arith.constant 0 : index
    %get3A_0 = arith.constant 0 : index
    %get3A_1 = vector.load %arg1[%get3A, %get3A_0] : memref<8x32768xf32, #tpu.memory_space<vmem>>, vector<8x32768xf32>
    %max3A = arith.constant 0.000000e+00 : f32
    %max3A_2 = vector.broadcast %max3A : f32 to vector<8x32768xf32>
    %max3A_3 = arith.maximumf %get3A_1, %max3A_2 : vector<8x32768xf32>
    %abs3A = math.absf %get3A_1 : vector<8x32768xf32>
    %neg3A = arith.constant 0.000000e+00 : f32
    %neg3A_4 = vector.broadcast %neg3A : f32 to vector<8x32768xf32>
    %neg3A_5 = arith.subf %neg3A_4, %abs3A : vector<8x32768xf32>
    %exp3A = math.exp %neg3A_5 : vector<8x32768xf32>
    %log1p3A = math.log1p %exp3A : vector<8x32768xf32>
    %add3A = arith.addf %max3A_3, %log1p3A : vector<8x32768xf32>
    %reduce_sum3A = vector.shape_cast %add3A : vector<8x32768xf32> to vector<1x8x32768xf32>
    %reduce_sum3A_6 = arith.constant dense<0.000000e+00> : vector<1xf32>
    %reduce_sum3A_7 = vector.multi_reduction <add>, %reduce_sum3A, %reduce_sum3A_6 [1, 2] : vector<1x8x32768xf32> to vector<1xf32>
    %reduce_sum3A_8 = vector.shape_cast %reduce_sum3A_7 : vector<1xf32> to vector<1x1x1xf32>
    %reduce_sum3A_9 = vector.extract %reduce_sum3A_8[0, 0, 0] : f32 from vector<1x1x1xf32>
    %eq3A = arith.constant 0 : i32
    %eq3A_10 = arith.cmpi eq, %arg0, %eq3A : i32
    %convert_element_type3A = arith.extui %eq3A_10 : i1 to i32
    %cond3A = arith.constant 0 : i32
    %cond3A_11 = arith.cmpi ne, %convert_element_type3A, %cond3A : i32
    scf.if %cond3A_11 {
      %swap3A_18 = arith.constant 0.000000e+00 : f32
      %swap3A_19 = arith.constant 0 : index
      %swap3A_20 = arith.constant 0 : index
      %swap3A_21 = memref.load %arg2[%swap3A_19, %swap3A_20] : memref<1x1xf32, #tpu.memory_space<smem>>
      memref.store %swap3A_18, %arg2[%swap3A_19, %swap3A_20] : memref<1x1xf32, #tpu.memory_space<smem>>
    } else {
    }
    %get3A_12 = arith.constant 0 : index
    %get3A_13 = arith.constant 0 : index
    %get3A_14 = memref.load %arg2[%get3A_12, %get3A_13] : memref<1x1xf32, #tpu.memory_space<smem>>
    %add3A_15 = arith.addf %get3A_14, %reduce_sum3A_9 : f32
    %swap3A = arith.constant 0 : index
    %swap3A_16 = arith.constant 0 : index
    %swap3A_17 = memref.load %arg2[%swap3A, %swap3A_16] : memref<1x1xf32, #tpu.memory_space<smem>>
    memref.store %add3A_15, %arg2[%swap3A, %swap3A_16] : memref<1x1xf32, #tpu.memory_space<smem>>
    return
  }
  func.func @transform_0(%arg0: i32) -> (i32, i32) {
    %c0_i32 = arith.constant 0 : i32
    %c0_i32_0 = arith.constant 0 : i32
    return %c0_i32, %arg0 : i32, i32
  }
  func.func @transform_1(%arg0: i32) -> (i32, i32) {
    %c0_i32 = arith.constant 0 : i32
    %c0_i32_0 = arith.constant 0 : i32
    %c0_i32_1 = arith.constant 0 : i32
    return %c0_i32, %c0_i32_0 : i32, i32
  }
}

module attributes {stable_mosaic.version = 14 : i64} {
  func.func @_combine_body(%arg0: memref<1x1xf32, #tpu.memory_space<smem>>, %arg1: memref<32x16xf32, #tpu.memory_space<vmem>>, %arg2: memref<1x1xf32, #tpu.memory_space<smem>>) attributes {dimension_semantics = [], scalar_prefetch = 0 : i64, scratch_operands = 0 : i64, tpu.core_type = #tpu.core_type<tc>} {
    %get3A = arith.constant 0 : index
    %get3A_0 = arith.constant 0 : index
    %get3A_1 = memref.load %arg0[%get3A, %get3A_0] : memref<1x1xf32, #tpu.memory_space<smem>>
    %get3A_2 = arith.constant 0 : index
    %get3A_3 = arith.constant 0 : index
    %get3A_4 = vector.load %arg1[%get3A_2, %get3A_3] : memref<32x16xf32, #tpu.memory_space<vmem>>, vector<32x16xf32>
    %reduce_sum3A = vector.shape_cast %get3A_4 : vector<32x16xf32> to vector<1x32x16xf32>
    %reduce_sum3A_5 = arith.constant dense<0.000000e+00> : vector<1xf32>
    %reduce_sum3A_6 = vector.multi_reduction <add>, %reduce_sum3A, %reduce_sum3A_5 [1, 2] : vector<1x32x16xf32> to vector<1xf32>
    %reduce_sum3A_7 = vector.shape_cast %reduce_sum3A_6 : vector<1xf32> to vector<1x1x1xf32>
    %reduce_sum3A_8 = vector.extract %reduce_sum3A_7[0, 0, 0] : f32 from vector<1x1x1xf32>
    %sub3A = arith.subf %get3A_1, %reduce_sum3A_8 : f32
    %mul3A = arith.constant 9.53674316E-7 : f32
    %mul3A_9 = arith.mulf %sub3A, %mul3A : f32
    %swap3A = arith.constant 0 : index
    %swap3A_10 = arith.constant 0 : index
    %swap3A_11 = memref.load %arg2[%swap3A, %swap3A_10] : memref<1x1xf32, #tpu.memory_space<smem>>
    memref.store %mul3A_9, %arg2[%swap3A, %swap3A_10] : memref<1x1xf32, #tpu.memory_space<smem>>
    return
  }
}

</mosaic_0001>

<sc_bundles>
// kernel: kernel.5.cloned.1.call-start
scs
__scs_entry_jumppad:
0x0: {  	(pc) =	sbr.rel $0x88, $3  }
0x1: {  	(tag) =	ssettag $0x0;
	lr =	simm.s32 $0x1  }
0x2: {  	[smem:$0x3F9D] =	sst lr;
	_ =	strace $0xD0000000  }
0x3: {  	_ = 	snop  }
0x4: {  	_ = 	snop  }
0x5: {  	_ = 	snop  }
0x6: {  	_ = 	snop  }
0x7: {  	_ = 	snop  }
__scs_overlays_trampoline_lowered:
0x8: {  	[smem:$0x3FAC] =	sst s0  }
0x9: {  	[smem:$0x3FAD] =	sst s1  }
0xa: {  	[smem:$0x3FAE] =	sst s2  }
0xb: {  	[smem:$0x3FAF] =	sst s3  }
0xc: {  	[smem:$0x3FB0] =	sst s4  }
0xd: {  	[smem:$0x3FB1] =	sst s5  }
0xe: {  	[smem:$0x3FB2] =	sst s6  }
0xf: {  	[smem:$0x3FB3] =	sst s7  }
0x10: {  	[smem:$0x3FB4] =	sst s8  }
0x11: {  	[smem:$0x3FB5] =	sst s9;
	s0 =	simm.s32 @!p0 $0x0  }
0x12: {  	s1 =	sld [smem:$0x3F9B];
	s0 =	simm.s32 @p0 $0x1  }
0x13: {  	[smem:$0x3FB6] =	sst s0;
	s0 =	simm.s32 @!p1 $0x0  }
0x14: {  	s2 =	sld [smem:$0x3F9A];
	s0 =	simm.s32 @p1 $0x1  }
0x15: {  	[smem:$0x3FB7] =	sst s0;
	s0 =	simm.s32 @!p2 $0x0  }
0x16: {  	s3 =	sld [smem:$0x3FDB];
	s0 =	simm.s32 @p2 $0x1  }
0x17: {  	s4 =	simm.s32 $0x1BF5;
	[smem:$0x3FB9] =	sst s0  }
0x18: {  	s0 =	sld [smem:$0x3F9C];
	_ =	swait.ge [sflag:s4], $0x0  }
0x19: {  	s7 =	sld [smem:$0x3F9D]  }
0x1a: {  	s8 =	sadd.s32 $0xFFFFE003, lr  }
0x1b: {  	s9 =	sadd.s32 $0xFFFFFEF7, lr;
	s5 =	simm.s32 $0xFFFFFFFF;
	p2 =	slt.u32 s8, $0xFFFFF086  }
0x1c: {  	p1 =	slt.u32 s9, $0xF7A;
	s5 =	simm.s32 @!p2 $0x0  }
0x1d: {  	s5 =	simm.s32 @p1 $0x1;
	p0 =	seq.s32 s7, s2  }
0x1e: {  	s7 =	smul.u32 @!p0 $0xF7A, s2;
	p2 =	seq.s32 @!p0 s5, $0x0  }
0x1f: {  	s9 =	smul.u32 $0xF7A, s1;
	s8 =	simm.s32 @!p0 $0x1BF5;
	p2 =	por !p2, p0  }
0x20: {  	[sflag:s8] =	ssyncset.s32 @!p0 $0xFFFFF086;
	s6 =	sadd.s32 @!p0 s3, s7;
	s7 =	simm.s32 @!p0 $0x108  }
0x21: {  	s3 =	sadd.s32 s3, s9;
	s6 =	sadd.s32 @!p0 $0x88, s6;
	s7 =	simm.s32 @p2 $0x1082  }
0x22: {  	[simem:s7], [sflag:s8] =	dma.local @!p0 [hbm:s6], $0xF7A  }
0x23: {  	s9 =	sor.u32 $0xD0000000, s2;
	s6 =	simm.s32 $0x108;
	_ =	swait.ge @!p0 [sflag:s8], $0x0  }
0x24: {  	s3 =	sadd.s32 $0x88, s3;
	s6 =	simm.s32 @!p1 $0x1082;
	[sflag:s4] =	ssyncset.s32 $0xFFFFF086  }
0x25: {  	[simem:s6], [sflag:s4] =	dma.local [hbm:s3], $0xF7A  }
0x26: {  	[smem:$0x3F9D] =	sst s1;
	(tag) =	ssettag s2;
	_ =	strace s9  }
0x27: {  	s1 =	sld [smem:$0x3FAD]  }
0x28: {  	s2 =	sld [smem:$0x3FAE]  }
0x29: {  	s4 =	sld [smem:$0x3FB0]  }
0x2a: {  	p0 =	seq.s32 s5, $0x0;
	s5 =	sld [smem:$0x3FB1]  }
0x2b: {  	s6 =	sld [smem:$0x3FB2]  }
0x2c: {  	s7 =	sld [smem:$0x3FB3]  }
0x2d: {  	s3 =	simm.s32 $0x108;
	s8 =	sld [smem:$0x3FB4]  }
0x2e: {  	s3 =	simm.s32 @!p0 $0x1082;
	s9 =	sld [smem:$0x3FB5]  }
0x2f: {  	lr =	sadd.s32 s0, s3;
	s0 =	sld [smem:$0x3FAC]  }
0x30: {  	s3 =	sld [smem:$0x3FAF]  }
0x31: {  	[smem:$0x3FB8] =	sst s10  }
0x32: {  	s10 =	sld [smem:$0x3FB6];
	_ =	sdelay $0x3  }
0x33: {  	p0 =	seq.s32 s10, $0x1;
	s10 =	sld [smem:$0x3FB8];
	_ =	sdelay $0x3  }
0x34: {  	[smem:$0x3FB8] =	sst s10  }
0x35: {  	s10 =	sld [smem:$0x3FB7];
	_ =	sdelay $0x3  }
0x36: {  	p1 =	seq.s32 s10, $0x1;
	s10 =	sld [smem:$0x3FB8];
	_ =	sdelay $0x3  }
0x37: {  	[smem:$0x3FB8] =	sst s10  }
0x38: {  	s10 =	sld [smem:$0x3FB9]  }
0x39: {  	_ = 	snop;
	(pc) =	sbr.ind lr, $3  }
0x3a: {  	_ = 	snop  }
0x3b: {  	_ = 	snop  }
0x3c: {  	p2 =	seq.s32 s10, $0x1;
	s10 =	sld [smem:$0x3FB8]  }
0x3d: {  	_ =	shalt  }
0x3e: {  	_ =	shalt  }
0x3f: {  	_ =	shalt  }
0x40: {  	_ =	shalt  }
0x41: {  	_ =	shalt  }
0x42: {  	_ =	shalt  }
0x43: {  	_ =	shalt  }
0x44: {  	_ =	shalt  }
0x45: {  	_ =	shalt  }
0x46: {  	_ =	shalt  }
0x47: {  	_ =	shalt  }
0x48: {  	_ =	shalt  }
0x49: {  	_ =	shalt  }
0x4a: {  	_ =	shalt  }
0x4b: {  	_ =	shalt  }
0x4c: {  	_ =	shalt  }
0x4d: {  	_ =	shalt  }
0x4e: {  	_ =	shalt  }
0x4f: {  	_ =	shalt  }
0x50: {  	_ =	shalt  }
0x51: {  	_ =	shalt  }
0x52: {  	_ =	shalt  }
0x53: {  	_ =	shalt  }
0x54: {  	_ =	shalt  }
0x55: {  	_ =	shalt  }
0x56: {  	_ =	shalt  }
0x57: {  	_ =	shalt  }
0x58: {  	_ =	shalt  }
0x59: {  	_ =	shalt  }
0x5a: {  	_ =	shalt  }
0x5b: {  	_ =	shalt  }
0x5c: {  	_ =	shalt  }
0x5d: {  	_ =	shalt  }
0x5e: {  	_ =	shalt  }
0x5f: {  	_ =	shalt  }
0x60: {  	_ =	shalt  }
0x61: {  	_ =	shalt  }
0x62: {  	_ =	shalt  }
0x63: {  	_ =	shalt  }
0x64: {  	_ =	shalt  }
0x65: {  	_ =	shalt  }
0x66: {  	_ =	shalt  }
0x67: {  	_ =	shalt  }
0x68: {  	_ =	shalt  }
0x69: {  	_ =	shalt  }
0x6a: {  	_ =	shalt  }
0x6b: {  	_ =	shalt  }
0x6c: {  	_ =	shalt  }
0x6d: {  	_ =	shalt  }
0x6e: {  	_ =	shalt  }
0x6f: {  	_ =	shalt  }
0x70: {  	_ =	shalt  }
0x71: {  	_ =	shalt  }
0x72: {  	_ =	shalt  }
0x73: {  	_ =	shalt  }
0x74: {  	_ =	shalt  }
0x75: {  	_ =	shalt  }
0x76: {  	_ =	shalt  }
0x77: {  	_ =	shalt  }
0x78: {  	_ =	shalt  }
0x79: {  	_ =	shalt  }
0x7a: {  	_ =	shalt  }
0x7b: {  	_ =	shalt  }
0x7c: {  	_ =	shalt  }
0x7d: {  	_ =	shalt  }
0x7e: {  	_ =	shalt  }
0x7f: {  	_ =	shalt  }
0x80: {  	_ =	shalt  }
0x81: {  	_ =	shalt  }
0x82: {  	_ =	shalt  }
0x83: {  	_ =	shalt  }
0x84: {  	_ =	shalt  }
0x85: {  	_ =	shalt  }
0x86: {  	_ =	shalt  }
0x87: {  	_ =	shalt  }
.Lfunc_end0:
.L_simem_size_0:
called_computation_lowered:
.L_overlay_start_0:
0x88: {  	s2 =	sld [smem:$0x3FD9]  }
0x89: {  	s3 =	sld [smem:$0x3FFE];
	_ =	sdelay $0x1  }
0x8a: {  	s1 =	srdreg.scid  }
0x8b: {  	s0 =	sand.u32 $0x1, s1  }
0x8c: {  	s17 =	sshll.u32 s0, $0xA;
	s2 =	sadd.s32 s3, s2  }
0x8d: {  	s2 =	sadd.s32 s2, s17  }
0x8e: {  	[smem:$0x3FC4] =	sst s2  }
0x8f: {  	_ = 	snop  }
0x90: {  	s2 =	sld [smem:$0x3FC7];
	(tm) =	ssettm $0x1  }
0x91: {  	s18 =	sld [smem:$0x3FFB];
	_ =	sdelay $0x3  }
0x92: {  	_ =	strace s18  }
0x93: {  	s3 =	sld [smem:$0x3FFC];
	_ =	sdelay $0x3  }
0x94: {  	_ =	strace s3  }
0x95: {  	s3 =	sld [smem:$0x3FFD];
	_ =	sdelay $0x3  }
0x96: {  	_ =	strace s3  }
0x97: {  	_ =	strace $0x8FFFFFFF  }
0x98: {  	s19 =	sld [smem:$0x3FDB];
	_ =	sdelay $0x1  }
0x99: {  	s4 =	simm.s32 $_scs_section_size  }
0x9a: {  	s5 =	simm.s32 $_size__tile_overlayer_lowered;
	s6 =	simm.s32 $_tile_overlayer_lowered  }
0x9b: {  	s22 =	simm.s32 $0x1BFF;
	s21 =	sshll.u32 s6, $0x1;
	s3 =	sadd.s32 s4, s19  }
0x9c: {  	s7 =	simm.s32 $0x0;
	s20 =	sshll.u32 s5, $0x1;
	s5 =	sadd.s32 s21, s3  }
0x9d: {  	[timem:s7], [sflag:s22] =	dma.local [hbm:s5], s20  }
0x9e: {  	_ =	swait.ge [sflag:s22], s20  }
0x9f: {  	s4 =	ssub.s32 $0x0, s20;
	[sflag:s22] =	ssyncset.done $0x0  }
0xa0: {  	[sflag:s22] =	ssyncadd.s32 s4;
	_ =	sdelay $0x1  }
0xa1: {  	s23 =	simm.s32 $0x1B8B  }
0xa2: {  	_ =	swait.ge [sflag:s23], $0x1  }
0xa3: {  	[sflag:s23] =	ssyncset.done $0x0  }
0xa4: {  	s25 =	simm.s32 $0x1B8E;
	s24 =	sld [smem:$0x3FFE];
	[sflag:s23] =	ssyncadd.s32 $0xFFFFFFFF  }
0xa5: {  	s26 =	simm.s32 $execute0_lowered;
	[smem:$0x3FD2] =	sst s25  }
0xa6: {  	s5 =	sshll.u32 s26, $0x1;
	_ =	strace $0x80000046;
	[dreg:$0x1] =	wrdreg $0xFFFFFFFF  }
0xa7: {  	s28 =	simm.s32 $_size_execute0_lowered;
	s3 =	sadd.s32 s3, s5;
	[dreg:$0x0] =	wrdreg $0x0  }
0xa8: {  	s5 =	sshll.u32 s28, $0x1;
	[dreg:$0x2] =	wrdreg s3  }
0xa9: {  	[dreg:$0x3] =	wrdreg s5  }
0xaa: {  	[dreg:$0x4] =	wrdreg $0xC0  }
0xab: {  	_ =	task [dreg:s7], $0x5FFFF  }
0xac: {  	[dreg:$0x1] =	wrdreg $0xFFFFFFFF  }
0xad: {  	[dreg:$0x0] =	wrdreg $0x60  }
0xae: {  	[dreg:$0x2] =	wrdreg s2  }
0xaf: {  	[dreg:$0x3] =	wrdreg s24  }
0xb0: {  	[dreg:$0x4] =	wrdreg $0x1B800  }
0xb1: {  	[dreg:$0x5] =	wrdreg $0x9  }
0xb2: {  	_ =	task.clear_ibuf [dreg:s7], $0x6FFFF;
	_ =	strace $0x90000046  }
0xb3: {  	s29 =	simm.s32 $0x9;
	_ =	strace $0x80000052  }
0xb4: {  	_ =	swait.ge [sflag:s29], $0x1  }
0xb5: {  	[sflag:s29] =	ssyncadd.s32 $0xFFFFFFFF  }
0xb6: {  	_ =	strace $0x90000052  }
0xb7: {  	_ =	sfence  }
0xb8: {  	s30 =	sld [smem:$0x0];
	_ =	sdelay $0x2  }
0xb9: {  	s31 =	sshll.u32 s1, $0xD;
	s1 =	sshrl.u32 s1, $0x2  }
0xba: {  	s3 =	sand.u32 $0x4000, s31;
	s1 =	sadd.s32 s1, s30  }
0xbb: {  	s0 =	sor.u32 s3, s0;
	s1 =	sshll.u32 s1, $0x11  }
0xbc: {  	s0 =	sor.u32 s1, s0  }
0xbd: {  	s0 =	sadd.s32 $0x8F2B, s0  }
0xbe: {  	[sflag:s0] =	ssyncadd.remote.s32 $0x1  }
0xbf: {  	_ =	sfence.sel $0xFFFF  }
0xc0: {  	[dreg:$0x0] =	wrdreg $0xFFFFFFFF;
	(pc) =	sbr.abs _section_cstart, $3  }
0xc1: {  	[dreg:$0x1] =	wrdreg $0xFFFFFFFF  }
0xc2: {  	_ =	task.clear_ibuf [dreg:s7], $0x2FFFF;
	_ =	strace $0x9FFFFFFF  }
0xc3: {  	(tm) =	ssettm $0x7FFFFFFF  }
tec
execute0_lowered:
.L_overlay_start_1:
0x0: {  	(tag) =	ssettag $0x1  }
0x1: {  	s0 =	rddreg [dreg:$0x0]  }
0x2: {  	s1 =	rddreg [dreg:$0x1]  }
0x3: {  	s2 =	rddreg [dreg:$0x2]  }
0x4: {  	s3 =	simm.s32 $0x0;
	s16 =	stileid.u32;
	s7 =	srdreg.scid  }
0x5: {  	s18 =	simm.s32 $0x280;
	s19 =	simm.s32 $0x1;
	s29 =	simm.s32 $0x780  }
0x6: {  	s31 =	simm.s32 $0x800;
	s17 =	simm.s32 $0x900;
	s21 =	simm.s32 $0x980  }
0x7: {  	s20 =	simm.s32 $0x1100;
	s22 =	simm.s32 $0x1180;
	[smem:$0x7FF] =	sst s3  }
0x8: {  	s11 =	sand.u32 $0x3, s16;
	s4 =	sadd.s32 $0xC00, s1;
	s8 =	sshll.u32 s16, $0x4  }
0x9: {  	s7 =	sand.u32 $0x1, s7;
	s10 =	sshrl.u32 s16, $0x2;
	_ =	strace $0x80000047  }
0xa: {  	s5 =	sshll.u32 s11, $0x5;
	s9 =	ssub.s32 $0x2, s7;
	s12 =	sshll.u32 s7, $0x2  }
0xb: {  	s8 =	sand.u32 $0x70, s8;
	s14 =	sshll.u32 s7, $0x4;
	s23 =	smul.u32 $0x20008, s10  }
0xc: {  	s6 =	sadd.s32 s5, s1;
	s5 =	sadd.s32 $0x1C00, s1;
	s13 =	sshrl.u32 s9, $0x1  }
0xd: {  	s12 =	sor.u32 s10, s12;
	s1 =	sadd.s32 s8, s1;
	s26 =	sor.u32 s16, s14  }
0xe: {  	s16 =	sand.u32 $0xC, s16;
	s13 =	ssub.s32 s9, s13;
	s24 =	sshll.u32 s12, $0x7  }
0xf: {  	s25 =	sshll.u32 s12, $0xB;
	s28 =	sshll.u32 s26, $0xA;
	s15 =	sshll.u32 s26, $0x4  }
0x10: {  	s14 =	sor.u32 s16, s14;
	s16 =	simm.s32 $0x200;
	s26 =	simm.s32 $0x700  }
0x11: {  	v1 =	vmov s23;
	s23 =	simm.s32 $0x2;
	s6 =	sadd.s32 s24, s6;
	s7 =	sadd.s32 s0, s25  }
0x12: {  	s15 =	sand.u32 $0x180, s15;
	s24 =	sshll.u32 s12, $0x11;
	s30 =	sor.u32 s11, s14  }
0x13: {  	s11 =	smax.u32 s13, $0x1;
	s13 =	simm.s32 $0x3;
	s14 =	simm.s32 $0x80  }
0x14: {  	s25 =	simm.s32 $0x0;
	s6 =	sadd.s32 $0x800, s6;
	s8 =	sadd.s32 $0x4000, s7  }
0x15: {  	s9 =	sadd.s32 $0x8000, s7;
	s1 =	sadd.s32 s15, s1;
	s12 =	smul.u32 $0x300, s30  }
0x16: {  	v3 =	vlaneseq.u32;
	v0 =	vmov s28;
	v2 =	vmov s24;
	s24 =	simm.s32 $0x1B00;
	s10 =	sadd.s32 $0x21C00, s1;
	s1 =	simm.s32 $0x880  }
.LBB2_1:
0x17: {  	_ =	strace $0x80000048  }
0x18: {  	[tilespmem:s3], [sflag:$0x3] =	stream.linear.gather [hbm4b:s6+s3], $0x100, $0x200038;
	[tilespmem:$0x9B88] =	vst v63  }
0x19: {  	_ =	swait.ge [sflag:s13], $0x100  }
0x1a: {  	[sflag:s13] =	ssyncset.done $0x0  }
0x1b: {  	[sflag:s13] =	ssyncadd.s32 $0xFFFFFF00  }
0x1c: {  	_ =	strace $0x90000048  }
0x1d: {  	_ =	strace $0x80000049  }
0x1e: {  	s30 =	simm.s32 $0x10;
	s28 =	simm.s32 $0x0;
	s0 =	simm.s32 $0x0;
	v4 =	vld [tilespmem:s3+$0x0]  }
.LBB2_2:
0x1f: {  	p0 =	sne.s32 s30, $0xF0;
	_ =	sdelay $0x3  }
0x20: {  	v4 =	vmul.u32 $0x2AAB, v4  }
.Ltmp0:
0x21: {  	(pc) =	sbr.rel @p0 .LBB2_2-.Ltmp0, $4  }
0x22: {  	v4 =	vshra.s32 v4, $0x10  }
0x23: {  	s15 =	sand.u32 $0xF0, s28;
	s28 =	smov.u32 s30;
	v4 =	vadd.s32 v0, v4  }
0x24: {  	s0 =	sadd.s32 $0x10, s0;
	[tilespmem:s15+$0x100] =	vst v4  }
0x25: {  	s30 =	sadd.s32 $0x10, s30;
	v4 =	vld [tilespmem:s0+$0x0]  }
0x26: {  	_ =	sdelay $0x3  }
0x27: {  	v4 =	vmul.u32 $0x2AAB, v4;
	_ =	sdelay $0x1  }
0x28: {  	v4 =	vshra.s32 v4, $0x10  }
0x29: {  	s0 =	sand.u32 $0xF0, s28;
	v4 =	vadd.s32 v0, v4  }
0x2a: {  	[tilespmem:s0+$0x100] =	vst v4  }
0x2b: {  	_ =	strace $0x90000049  }
0x2c: {  	s15 =	simm.s32 $0x100;
	_ =	strace $0x8000004A  }
0x2d: {  	[tilespmem:s16], [sflag:$0x1] =	stream.indirect.gather [hbm4b:s4+s14], $0x1, s15, s14, $0x2000b8;
	[tilespmem:$0x9B88] =	vst v63  }
0x2e: {  	s15 =	simm.s32 $0x180  }
0x2f: {  	[tilespmem:s18], [sflag:$0x1] =	stream.indirect.gather [hbm4b:s4+s14], $0x1, s15, s14, $0x2000b8;
	[tilespmem:$0x9B88] =	vst v63  }
0x30: {  	_ =	swait.ge [sflag:s19], $0x80  }
0x31: {  	[sflag:s19] =	ssyncset.done $0x0  }
0x32: {  	[sflag:s19] =	ssyncadd.s32 $0xFFFFFF80  }
0x33: {  	_ =	swait.ge [sflag:s19], $0x80  }
0x34: {  	[sflag:s19] =	ssyncset.done $0x0  }
0x35: {  	[sflag:s19] =	ssyncadd.s32 $0xFFFFFF80  }
0x36: {  	_ =	strace $0x9000004A  }
0x37: {  	s15 =	simm.s32 $0x300;
	_ =	strace $0x8000004B  }
0x38: {  	[tilespmem:s15], [sflag:$0x1] =	stream.indirect.gather [hbm4b:s7+s14], $0x1, s16, s14, $0x2000b8;
	[tilespmem:$0x9B88] =	vst v63  }
0x39: {  	s15 =	simm.s32 $0x380  }
0x3a: {  	[tilespmem:s15], [sflag:$0x1] =	stream.indirect.gather [hbm4b:s7+s14], $0x1, s18, s14, $0x2000b8;
	[tilespmem:$0x9B88] =	vst v63  }
0x3b: {  	s15 =	simm.s32 $0x400  }
0x3c: {  	[tilespmem:s15], [sflag:$0x1] =	stream.indirect.gather [hbm4b:s8+s14], $0x1, s16, s14, $0x2000b8;
	[tilespmem:$0x9B88] =	vst v63  }
0x3d: {  	s15 =	simm.s32 $0x480  }
0x3e: {  	[tilespmem:s15], [sflag:$0x1] =	stream.indirect.gather [hbm4b:s8+s14], $0x1, s18, s14, $0x2000b8;
	[tilespmem:$0x9B88] =	vst v63  }
0x3f: {  	s15 =	simm.s32 $0x500  }
0x40: {  	[tilespmem:s15], [sflag:$0x1] =	stream.indirect.gather [hbm4b:s9+s14], $0x1, s16, s14, $0x2000b8;
	[tilespmem:$0x9B88] =	vst v63  }
0x41: {  	s15 =	simm.s32 $0x580  }
0x42: {  	[tilespmem:s15], [sflag:$0x1] =	stream.indirect.gather [hbm4b:s9+s14], $0x1, s18, s14, $0x2000b8;
	[tilespmem:$0x9B88] =	vst v63  }
0x43: {  	_ =	swait.ge [sflag:s19], $0x80  }
0x44: {  	[sflag:s19] =	ssyncset.done $0x0  }
0x45: {  	[sflag:s19] =	ssyncadd.s32 $0xFFFFFF80  }
0x46: {  	_ =	swait.ge [sflag:s19], $0x80  }
0x47: {  	[sflag:s19] =	ssyncset.done $0x0  }
0x48: {  	[sflag:s19] =	ssyncadd.s32 $0xFFFFFF80  }
0x49: {  	_ =	swait.ge [sflag:s19], $0x80  }
0x4a: {  	[sflag:s19] =	ssyncset.done $0x0  }
0x4b: {  	[sflag:s19] =	ssyncadd.s32 $0xFFFFFF80  }
0x4c: {  	_ =	swait.ge [sflag:s19], $0x80  }
0x4d: {  	[sflag:s19] =	ssyncset.done $0x0  }
0x4e: {  	[sflag:s19] =	ssyncadd.s32 $0xFFFFFF80  }
0x4f: {  	_ =	swait.ge [sflag:s19], $0x80  }
0x50: {  	[sflag:s19] =	ssyncset.done $0x0  }
0x51: {  	[sflag:s19] =	ssyncadd.s32 $0xFFFFFF80  }
0x52: {  	_ =	swait.ge [sflag:s19], $0x80  }
0x53: {  	[sflag:s19] =	ssyncset.done $0x0  }
0x54: {  	[sflag:s19] =	ssyncadd.s32 $0xFFFFFF80  }
0x55: {  	_ =	strace $0x9000004B  }
0x56: {  	s28 =	simm.s32 $0x0;
	_ =	strace $0x8000004C  }
0x57: {  	v4 =	vld [tilespmem:s28+$0x300];
	_ =	sdelay $0x2  }
0x58: {  	v5 =	vor.u32 s12, v3  }
0x59: {  	s30 =	simm.s32 $0x40;
	s0 =	sadd.s32 $0x10, s12;
	[tilespmem:s28+$0xB00] =	vst v5  }
.LBB2_4:
0x5a: {  	s15 =	sshra.s32 s30, $0x2;
	v5 =	vor.u32 s0, v3;
	p0 =	sne.s32 s30, $0xBC0;
	s30 =	sadd.s32 $0x40, s30;
	vm0 =	vgt.s32 v4, $0xFFFFFFFF;
	vm1 =	vgt.s32 v4, $0x0  }
.Ltmp1:
0x5b: {  	[tilespmem:s15+$0xB00] =	vst v5;
	v5 =	vnsel vm0, $0x20000, v4;
	v6 =	vnsel vm1, $0x0, v4;
	v4 =	vld [tilespmem:s15+$0x300];
	(pc) =	sbr.rel @p0 .LBB2_4-.Ltmp1, $4  }
0x5c: {  	v5 =	vadd.s32 v1, v5;
	v6 =	vadd.s32 v2, v6  }
0x5d: {  	[tilespmem:s28+$0x1300] =	vst v6  }
0x5e: {  	[tilespmem:s28+$0x700] =	vst v5;
	s28 =	smov.u32 s15  }
0x5f: {  	s0 =	sadd.s32 $0x10, s0  }
0x60: {  	vm0 =	vgt.s32 v4, $0x0  }
0x61: {  	vm1 =	vgt.s32 v4, $0xFFFFFFFF;
	v5 =	vnsel vm0, $0x0, v4  }
0x62: {  	v4 =	vnsel vm1, $0x20000, v4;
	v5 =	vadd.s32 v2, v5  }
0x63: {  	v4 =	vadd.s32 v1, v4;
	[tilespmem:s28+$0x1300] =	vst v5  }
0x64: {  	[tilespmem:s28+$0x700] =	vst v4  }
0x65: {  	_ =	strace $0x9000004C  }
0x66: {  	s0 =	simm.s32 $0xB00;
	_ =	strace $0x8000004D  }
0x67: {  	[spmem:s2] =	stream.indirect.scatter [tilespmem:s0], [sflag:$0x1], $0x1, s26, s14, $0x2000b8;
	[tilespmem:$0x9B88] =	vst v63  }
0x68: {  	s15 =	simm.s32 $0xB80  }
0x69: {  	[spmem:s2] =	stream.indirect.scatter [tilespmem:s15], [sflag:$0x1], $0x1, s29, s14, $0x2000b8;
	[tilespmem:$0x9B88] =	vst v63  }
0x6a: {  	s28 =	simm.s32 $0xC00  }
0x6b: {  	[spmem:s2] =	stream.indirect.scatter [tilespmem:s28], [sflag:$0x1], $0x1, s31, s14, $0x2000b8;
	[tilespmem:$0x9B88] =	vst v63  }
0x6c: {  	s30 =	simm.s32 $0xC80  }
0x6d: {  	[spmem:s2] =	stream.indirect.scatter [tilespmem:s30], [sflag:$0x1], $0x1, s1, s14, $0x2000b8;
	[tilespmem:$0x9B88] =	vst v63  }
0x6e: {  	s15 =	simm.s32 $0xD00  }
0x6f: {  	[spmem:s2] =	stream.indirect.scatter [tilespmem:s15], [sflag:$0x1], $0x1, s17, s14, $0x2000b8;
	[tilespmem:$0x9B88] =	vst v63  }
0x70: {  	s28 =	simm.s32 $0xD80  }
0x71: {  	[spmem:s2] =	stream.indirect.scatter [tilespmem:s28], [sflag:$0x1], $0x1, s21, s14, $0x2000b8;
	[tilespmem:$0x9B88] =	vst v63  }
0x72: {  	s30 =	simm.s32 $0x1300;
	s15 =	simm.s32 $0x1700  }
0x73: {  	[tilespmem:s15], [sflag:$0x2] =	stream.indirect.gather [hbm4b:s5+s14], $0x1, s30, s14, $0x2000b8;
	[tilespmem:$0x9B88] =	vst v63  }
0x74: {  	s28 =	simm.s32 $0x1380;
	s30 =	simm.s32 $0x1780  }
0x75: {  	[tilespmem:s30], [sflag:$0x2] =	stream.indirect.gather [hbm4b:s5+s14], $0x1, s28, s14, $0x2000b8;
	[tilespmem:$0x9B88] =	vst v63  }
0x76: {  	s28 =	simm.s32 $0x1400;
	s30 =	simm.s32 $0x1800  }
0x77: {  	[tilespmem:s30], [sflag:$0x2] =	stream.indirect.gather [hbm4b:s5+s14], $0x1, s28, s14, $0x2000b8;
	[tilespmem:$0x9B88] =	vst v63  }
0x78: {  	s28 =	simm.s32 $0x1480;
	s30 =	simm.s32 $0x1880  }
0x79: {  	[tilespmem:s30], [sflag:$0x2] =	stream.indirect.gather [hbm4b:s5+s14], $0x1, s28, s14, $0x2000b8;
	[tilespmem:$0x9B88] =	vst v63  }
0x7a: {  	s28 =	simm.s32 $0x1500;
	s30 =	simm.s32 $0x1900  }
0x7b: {  	[tilespmem:s30], [sflag:$0x2] =	stream.indirect.gather [hbm4b:s5+s14], $0x1, s28, s14, $0x2000b8;
	[tilespmem:$0x9B88] =	vst v63  }
0x7c: {  	s28 =	simm.s32 $0x1580;
	s30 =	simm.s32 $0x1980  }
0x7d: {  	[tilespmem:s30], [sflag:$0x2] =	stream.indirect.gather [hbm4b:s5+s14], $0x1, s28, s14, $0x2000b8;
	[tilespmem:$0x9B88] =	vst v63  }
0x7e: {  	_ =	swait.ge [sflag:s19], $0x80  }
0x7f: {  	[sflag:s19] =	ssyncset.done $0x0  }
0x80: {  	[sflag:s19] =	ssyncadd.s32 $0xFFFFFF80  }
0x81: {  	_ =	swait.ge [sflag:s19], $0x80  }
0x82: {  	[sflag:s19] =	ssyncset.done $0x0  }
0x83: {  	[sflag:s19] =	ssyncadd.s32 $0xFFFFFF80  }
0x84: {  	_ =	swait.ge [sflag:s19], $0x80  }
0x85: {  	[sflag:s19] =	ssyncset.done $0x0  }
0x86: {  	[sflag:s19] =	ssyncadd.s32 $0xFFFFFF80  }
0x87: {  	_ =	swait.ge [sflag:s19], $0x80  }
0x88: {  	[sflag:s19] =	ssyncset.done $0x0  }
0x89: {  	[sflag:s19] =	ssyncadd.s32 $0xFFFFFF80  }
0x8a: {  	_ =	swait.ge [sflag:s19], $0x80  }
0x8b: {  	[sflag:s19] =	ssyncset.done $0x0  }
0x8c: {  	[sflag:s19] =	ssyncadd.s32 $0xFFFFFF80  }
0x8d: {  	_ =	swait.ge [sflag:s19], $0x80  }
0x8e: {  	[sflag:s19] =	ssyncset.done $0x0  }
0x8f: {  	[sflag:s19] =	ssyncadd.s32 $0xFFFFFF80  }
0x90: {  	_ =	strace $0x9000004D  }
0x91: {  	_ =	strace $0x8000004E  }
0x92: {  	[bflag:$0x0] =	sbarrier.arrive $0xFFFF  }
0x93: {  	_ =	strace $0x9000004E  }
0x94: {  	s28 =	simm.s32 $0xF00;
	_ =	strace $0x8000004F  }
0x95: {  	[tilespmem:s28], [sflag:$0x1] =	stream.indirect.gather [spmem:s2], $0x1, s26, s14, $0x2000b8;
	[tilespmem:$0x9B88] =	vst v63  }
0x96: {  	s30 =	simm.s32 $0xF80  }
0x97: {  	[tilespmem:s30], [sflag:$0x1] =	stream.indirect.gather [spmem:s2], $0x1, s29, s14, $0x2000b8;
	[tilespmem:$0x9B88] =	vst v63  }
0x98: {  	s15 =	simm.s32 $0x1000  }
0x99: {  	[tilespmem:s15], [sflag:$0x1] =	stream.indirect.gather [spmem:s2], $0x1, s31, s14, $0x2000b8;
	[tilespmem:$0x9B88] =	vst v63  }
0x9a: {  	s28 =	simm.s32 $0x1080  }
0x9b: {  	[tilespmem:s28], [sflag:$0x1] =	stream.indirect.gather [spmem:s2], $0x1, s1, s14, $0x2000b8;
	[tilespmem:$0x9B88] =	vst v63  }
0x9c: {  	_ = 	snop  }
0x9d: {  	[tilespmem:s20], [sflag:$0x1] =	stream.indirect.gather [spmem:s2], $0x1, s17, s14, $0x2000b8;
	[tilespmem:$0x9B88] =	vst v63  }
0x9e: {  	_ = 	snop  }
0x9f: {  	[tilespmem:s22], [sflag:$0x1] =	stream.indirect.gather [spmem:s2], $0x1, s21, s14, $0x2000b8;
	[tilespmem:$0x9B88] =	vst v63  }
0xa0: {  	_ =	swait.ge [sflag:s19], $0x80  }
0xa1: {  	[sflag:s19] =	ssyncset.done $0x0  }
0xa2: {  	[sflag:s19] =	ssyncadd.s32 $0xFFFFFF80  }
0xa3: {  	_ =	swait.ge [sflag:s19], $0x80  }
0xa4: {  	[sflag:s19] =	ssyncset.done $0x0  }
0xa5: {  	[sflag:s19] =	ssyncadd.s32 $0xFFFFFF80  }
0xa6: {  	_ =	swait.ge [sflag:s19], $0x80  }
0xa7: {  	[sflag:s19] =	ssyncset.done $0x0  }
0xa8: {  	[sflag:s19] =	ssyncadd.s32 $0xFFFFFF80  }
0xa9: {  	_ =	swait.ge [sflag:s19], $0x80  }
0xaa: {  	[sflag:s19] =	ssyncset.done $0x0  }
0xab: {  	[sflag:s19] =	ssyncadd.s32 $0xFFFFFF80  }
0xac: {  	_ =	swait.ge [sflag:s19], $0x80  }
0xad: {  	[sflag:s19] =	ssyncset.done $0x0  }
0xae: {  	[sflag:s19] =	ssyncadd.s32 $0xFFFFFF80  }
0xaf: {  	_ =	swait.ge [sflag:s19], $0x80  }
0xb0: {  	[sflag:s19] =	ssyncset.done $0x0  }
0xb1: {  	[sflag:s19] =	ssyncadd.s32 $0xFFFFFF80  }
0xb2: {  	_ =	swait.ge [sflag:s23], $0x80  }
0xb3: {  	[sflag:s23] =	ssyncset.done $0x0  }
0xb4: {  	[sflag:s23] =	ssyncadd.s32 $0xFFFFFF80  }
0xb5: {  	_ =	swait.ge [sflag:s23], $0x80  }
0xb6: {  	[sflag:s23] =	ssyncset.done $0x0  }
0xb7: {  	[sflag:s23] =	ssyncadd.s32 $0xFFFFFF80  }
0xb8: {  	_ =	swait.ge [sflag:s23], $0x80  }
0xb9: {  	[sflag:s23] =	ssyncset.done $0x0  }
0xba: {  	[sflag:s23] =	ssyncadd.s32 $0xFFFFFF80  }
0xbb: {  	_ =	swait.ge [sflag:s23], $0x80  }
0xbc: {  	[sflag:s23] =	ssyncset.done $0x0  }
0xbd: {  	[sflag:s23] =	ssyncadd.s32 $0xFFFFFF80  }
0xbe: {  	_ =	swait.ge [sflag:s23], $0x80  }
0xbf: {  	[sflag:s23] =	ssyncset.done $0x0  }
0xc0: {  	[sflag:s23] =	ssyncadd.s32 $0xFFFFFF80  }
0xc1: {  	_ =	swait.ge [sflag:s23], $0x80  }
0xc2: {  	[sflag:s23] =	ssyncset.done $0x0  }
0xc3: {  	[sflag:s23] =	ssyncadd.s32 $0xFFFFFF80  }
0xc4: {  	_ =	strace $0x9000004F  }
0xc5: {  	s30 =	simm.s32 $0x0;
	_ =	strace $0x80000050  }
0xc6: {  	v5 =	vld [tilespmem:s30+$0xF00]  }
0xc7: {  	v6 =	vld [tilespmem:s30+$0xB00]  }
0xc8: {  	v7 =	vld [tilespmem:s30+$0x300];
	_ =	sdelay $0x1  }
0xc9: {  	v4 =	vimm.f32 $0.0e+00;
	s0 =	simm.s32 $0x40;
	v8 =	vld [tilespmem:s30+$0x1700]  }
.LBB2_6:
0xca: {  	s15 =	sshra.s32 s0, $0x2;
	v9 =	vmov v5;
	p0 =	sne.s32 s0, $0xBC0  }
.Ltmp2:
0xcb: {  	v5 =	vld [tilespmem:s15+$0xF00];
	(pc) =	sbr.rel @p0 .LBB2_6-.Ltmp2, $4  }
0xcc: {  	s0 =	sadd.s32 $0x40, s0;
	vm0 =	veq.s32 v9, v6;
	v6 =	vld [tilespmem:s15+$0xB00];
	vm1 =	vgt.s32 v7, $0xFFFFFFFF  }
0xcd: {  	v7 =	vld [tilespmem:s15+$0x300];
	vm0 =	vmand vm0, vm1  }
0xce: {  	v9 =	vnsel vm0, $0x0, v8  }
0xcf: {  	v8 =	vld [tilespmem:s15+$0x1700];
	v4 =	vadd.f32 v9, v4  }
0xd0: {  	_ =	sdelay $0x1  }
0xd1: {  	vm0 =	veq.s32 v5, v6;
	vm1 =	vgt.s32 v7, $0xFFFFFFFF  }
0xd2: {  	vm0 =	vmand vm0, vm1  }
0xd3: {  	v5 =	vnsel vm0, $0x0, v8  }
0xd4: {  	v4 =	vadd.f32 v5, v4;
	_ =	sdelay $0x1  }
0xd5: {  	[tilespmem:$0x1B00] =	vst v4  }
0xd6: {  	s25 =	sadd.s32 $0x1, s25;
	_ =	strace $0x90000050  }
0xd7: {  	p0 =	sne.s32 s25, s11;
	_ =	strace $0x80000051  }
0xd8: {  	[hbm4b:s10+s3] =	stream.linear.scatter [tilespmem:s24], [sflag:$0x3], $0x80, $0x200038;
	[tilespmem:$0x9B88] =	vst v63  }
.Ltmp3:
0xd9: {  	_ = 	snop;
	(pc) =	sbr.rel @p0 .LBB2_1-.Ltmp3, $4  }
0xda: {  	_ =	swait.ge [sflag:s13], $0x80  }
0xdb: {  	[sflag:s13] =	ssyncset.done $0x0  }
0xdc: {  	[sflag:s13] =	ssyncadd.s32 $0xFFFFFF80  }
0xdd: {  	_ =	strace $0x90000051  }
0xde: {  	_ =	sfence.sel $0x180000  }
0xdf: {  	[bflag:$0x0] =	sbarrier.arrive $0xFFFF  }
0xe0: {  	_ =	strace $0x90000047  }
0xe1: {  	s0 =	stileid.u32;
	[bflag:$0x2] =	sbarrier.arrive $0xFFFF  }
0xe2: {  	p0 =	sne.s32 s0, $0x0;
	s0 =	rddreg [dreg:$0x3]  }
0xe3: {  	s0 =	sadd.s32 @!p0 $0x100000, s0  }
0xe4: {  	[sflag:s0] =	ssyncadd.tile.s32 @!p0 $0x1;
	_ =	shalt  }
.Lfunc_end2:
_tile_overlayer_lowered:
.L_overlay_start_2:
0xe5: {  	(tag) =	ssettag $0x2  }
0xe6: {  	s0 =	rddreg [dreg:$0x0];
	s2 =	stileid.u32  }
0xe7: {  	s1 =	rddreg [dreg:$0x1];
	p0 =	sne.s32 s2, $0x0  }
0xe8: {  	s3 =	rddreg [dreg:$0x2];
	[bflag:$0x3] =	sbarrier.arrive $0xFFFF;
	s2 =	simm.s32 @!p0 $0x1C03  }
0xe9: {  	[timem:s3], [sflag:s2] =	dma.local @!p0 [hbm:s0], s1  }
0xea: {  	s0 =	simm.s32 @!p0 $0x3  }
0xeb: {  	_ =	swait.ge @!p0 [sflag:s0], s1  }
0xec: {  	s1 =	ssub.s32 @!p0 $0x0, s1;
	[sflag:s0] =	ssyncset.done @!p0 $0x0  }
0xed: {  	[sflag:s0] =	ssyncadd.s32 @!p0 s1  }
0xee: {  	[bflag:$0x3] =	sbarrier.arrive $0xFFFF  }
0xef: {  	_ =	shalt  }

</sc_bundles>
